<compile_context>
chip_gen: v7x
topology: tpu7x:2x2x1
jax: 0.10.2.dev20260603
libtpu: 0.0.44.dev20260713+nightly
codegen_flags: <defaults>
</compile_context>

<pallas_src>
import functools

import jax
import jax.numpy as jnp
from jax import lax
from jax.experimental import pallas as pl
from jax.experimental.pallas import tpu as pltpu
from jax.experimental.pallas import tpu_sc as plsc

W = 224
K = 128
M = 8 * 192 * 224
NC = 2
NS = 16
NW = NC * NS
ROWS_PER_W = M // NW
R = 112
CHUNKS = ROWS_PER_W // R


def _topk_body(w_ref, ind_ref):
    w = w_ref[...]
    s_row = jnp.sum(w, axis=0, keepdims=True)
    ii = lax.broadcasted_iota(jnp.int32, (W, W), 0)
    jj = lax.broadcasted_iota(jnp.int32, (W, W), 1)
    eye = (ii == jj).astype(jnp.float32)
    s_col = lax.dot_general(eye, s_row,
                            dimension_numbers=(((1,), (1,)), ((), ())),
                            preferred_element_type=jnp.float32)
    lane = lax.broadcasted_iota(jnp.int32, (W, W), 1)
    sub = lax.broadcasted_iota(jnp.int32, (W, W), 0)
    lt = (s_row < s_col).astype(jnp.float32)
    tie = ((s_row == s_col) & (lane < sub)).astype(jnp.float32)
    rank = jnp.sum(lt + tie, axis=1, keepdims=True)
    j = rank - float(W - K)
    jlane = lax.broadcasted_iota(jnp.int32, (W, K), 1).astype(jnp.float32)
    onehot = (j == jlane).astype(jnp.float32)
    csub = lax.broadcasted_iota(jnp.int32, (W, K), 0).astype(jnp.float32)
    ind_f = jnp.sum(onehot * csub, axis=0, keepdims=True)
    ind_ref[...] = ind_f.astype(jnp.int32)


_topk = pl.pallas_call(
    _topk_body,
    out_shape=jax.ShapeDtypeStruct((1, K), jnp.int32),
)


def _sc_gather_body(img_hbm, ind_hbm, out_hbm, ind_v,
                    in_v0, in_v1, out_v0, out_v1, sp_out,
                    in_s0, in_s1, x_s0, x_s1, out_s0, out_s1):
    sid = lax.axis_index("s")
    wid = sid * NC + lax.axis_index("c")
    base_row = wid * ROWS_PER_W
    in_bufs = (in_v0, in_v1)
    out_bufs = (out_v0, out_v1)
    in_sems = (in_s0, in_s1)
    x_sems = (x_s0, x_s1)
    out_sems = (out_s0, out_s1)

    pltpu.sync_copy(ind_hbm, ind_v)

    def start_in(c, b):
        row0 = base_row + c * R
        pltpu.async_copy(img_hbm.at[pl.ds(row0, R), pl.ds(0, 128)],
                         in_bufs[b].at[:, pl.ds(0, 128)], in_sems[b])
        pltpu.async_copy(img_hbm.at[pl.ds(row0, R), pl.ds(128, 96)],
                         in_bufs[b].at[:, pl.ds(128, 96)], in_sems[b])

    def wait_in(b):
        pltpu.make_async_copy(img_hbm.at[pl.ds(0, R), pl.ds(0, 128)],
                              in_bufs[b].at[:, pl.ds(0, 128)],
                              in_sems[b]).wait()
        pltpu.make_async_copy(img_hbm.at[pl.ds(0, R), pl.ds(128, 96)],
                              in_bufs[b].at[:, pl.ds(128, 96)],
                              in_sems[b]).wait()

    def start_x(b):
        pltpu.async_copy(out_bufs[b], sp_out.at[sid, b], x_sems[b])

    def wait_x(b):
        pltpu.make_async_copy(out_bufs[b], sp_out.at[sid, b],
                              x_sems[b]).wait()

    def start_out(c, b):
        row0 = base_row + c * R
        pltpu.async_copy(sp_out.at[sid, b], out_hbm.at[pl.ds(row0, R), :],
                         out_sems[b])

    def wait_out(b):
        pltpu.make_async_copy(sp_out.at[sid, b],
                              out_hbm.at[pl.ds(0, R), :],
                              out_sems[b]).wait()

    def gather_chunk(b):
        cvs = tuple(ind_v[pl.ds(16 * j, 16)] for j in range(K // 16))

        def row(r):
            rv = jnp.full((16,), 0, jnp.int32) + r
            for j in range(K // 16):
                out_bufs[b][r, pl.ds(16 * j, 16)] = (
                    plsc.load_gather(in_bufs[b], [rv, cvs[j]]))

        plsc.parallel_loop(0, R, unroll=2)(row)

    start_in(0, 0)
    start_in(1, 1)

    def step(i, carry):
        for b in range(2):
            c = 2 * i + b
            wait_in(b)

            @pl.when(i > 0)
            def _():
                wait_out(b)

            gather_chunk(b)
            start_x(b)

            @pl.when(i < CHUNKS // 2 - 1)
            def _():
                start_in(c + 2, b)

            wait_x(b)
            start_out(c, b)
        return carry

    lax.fori_loop(0, CHUNKS // 2, step, 0)
    wait_out(0)
    wait_out(1)


_sc_gather = functools.partial(
    pl.kernel,
    mesh=plsc.VectorSubcoreMesh(core_axis_name="c", subcore_axis_name="s"),
    out_type=jax.ShapeDtypeStruct((M, K), jnp.float32),
    compiler_params=pltpu.CompilerParams(needs_layout_passes=False),
    scratch_types=[
        pltpu.VMEM((K,), jnp.int32),
        pltpu.VMEM((R, W), jnp.float32),
        pltpu.VMEM((R, W), jnp.float32),
        pltpu.VMEM((R, K), jnp.float32),
        pltpu.VMEM((R, K), jnp.float32),
        pltpu.VMEM_SHARED((NS, 2, R, K), jnp.float32),
        pltpu.SemaphoreType.DMA,
        pltpu.SemaphoreType.DMA,
        pltpu.SemaphoreType.DMA,
        pltpu.SemaphoreType.DMA,
        pltpu.SemaphoreType.DMA,
        pltpu.SemaphoreType.DMA,
    ],
)(_sc_gather_body)


def kernel(img, weight):
    w2 = weight[:, :, 0, 0]
    ind = _topk(w2).reshape(K)
    img2 = img.reshape(M, W)
    out2 = _sc_gather(img2, ind)
    return out2.reshape(8, 192, 224, K)

# --- scband reference (transcript-rebuilt; emitter-appended) ---
"""Pipeline reference for scband-selectfunction-62242666054143 (READ-ONLY COPY).

The authoritative reference and input builder live on the scoring server;
editing this copy changes nothing except your own understanding.
"""

import jax, jax.numpy as jnp
import numpy as np

NUM = 128

def setup_inputs(seed: int = 0) -> dict:
    key = jax.random.key(seed)
    k1, k2 = jax.random.split(key)
    img = jax.random.normal(k1, (8, 192, 224, 224), dtype=jnp.float32)
    weight = jax.random.normal(k2, (8, 224, 1, 1), dtype=jnp.float32)
    return {"img": img, "weight": weight}

def reference(img, weight):
    # name == 'global' branch of selectfunction
    # ind = weight[:, :, 0, 0].sum(0).argsort()[-num:]
    scores = weight[:, :, 0, 0].sum(axis=0)  # [W]
    ind = jnp.argsort(scores)[-NUM:]          # top-NUM indices (ascending order of score)
    target = img[:, :, :, ind]                # gather along last dim
    return target

if __name__ == "__main__":
    import jax
    _d = setup_inputs()
    print(jax.jit(kernel)(*tuple(_d.values())))

</pallas_src>

<mosaic_0001>
#map = affine_map<(d0, d1) -> (0, 0)>
#map1 = affine_map<(d0, d1) -> (0)>
module attributes {stable_mosaic.version = 14 : i64} {
  func.func @_sc_gather_body(%arg0: i32, %arg1: i32, %arg2: memref<344064x224xf32, #tpu.memory_space<hbm>>, %arg3: memref<128xi32, #tpu.memory_space<hbm>>, %arg4: memref<344064x128xf32, #tpu.memory_space<hbm>>, %arg5: memref<128xi32, #tpu.memory_space<vmem>>, %arg6: memref<112x224xf32, #tpu.memory_space<vmem>>, %arg7: memref<112x224xf32, #tpu.memory_space<vmem>>, %arg8: memref<112x128xf32, #tpu.memory_space<vmem>>, %arg9: memref<112x128xf32, #tpu.memory_space<vmem>>, %arg10: memref<16x2x112x128xf32, #tpu.memory_space<vmem_shared>>, %arg11: memref<!tpu.dma_semaphore, #tpu.memory_space<semaphore_mem>>, %arg12: memref<!tpu.dma_semaphore, #tpu.memory_space<semaphore_mem>>, %arg13: memref<!tpu.dma_semaphore, #tpu.memory_space<semaphore_mem>>, %arg14: memref<!tpu.dma_semaphore, #tpu.memory_space<semaphore_mem>>, %arg15: memref<!tpu.dma_semaphore, #tpu.memory_space<semaphore_mem>>, %arg16: memref<!tpu.dma_semaphore, #tpu.memory_space<semaphore_mem>>) attributes {dimension_semantics = [#tpu.dimension_semantics<core_parallel>, #tpu.dimension_semantics<subcore_parallel>], iteration_bounds = array<i64: 2, 16>, scalar_prefetch = 0 : i64, scratch_operands = 12 : i64, tpu.core_type = #tpu.core_type<sc_vector_subcore>, window_params = [{transform_indices = #map}, {transform_indices = #map1}, {transform_indices = #map}]} {
    %mul3A = arith.constant 2 : i32
    %mul3A_0 = arith.muli %arg1, %mul3A : i32
    %add3A = arith.addi %mul3A_0, %arg0 : i32
    %mul3A_1 = arith.constant 10752 : i32
    %mul3A_2 = arith.muli %add3A, %mul3A_1 : i32
    "tpu.region"() ({
      %run_scoped3A = tpu.sem_alloc : memref<!tpu.dma_semaphore, #tpu.memory_space<semaphore_mem>>
      tpu.enqueue_dma source(%arg3 : memref<128xi32, #tpu.memory_space<hbm>>) target(%arg5 : memref<128xi32, #tpu.memory_space<vmem>>) target_semaphore(%run_scoped3A : memref<!tpu.dma_semaphore, #tpu.memory_space<semaphore_mem>>)
      tpu.wait_dma2 semaphore(%run_scoped3A : memref<!tpu.dma_semaphore, #tpu.memory_space<semaphore_mem>>) src(%arg3 : memref<128xi32, #tpu.memory_space<hbm>>) dst(%arg5 : memref<128xi32, #tpu.memory_space<vmem>>)
      tpu.yield
    }) : () -> ()
    %add3A_3 = arith.constant 0 : i32
    %add3A_4 = arith.addi %mul3A_2, %add3A_3 : i32
    %dma_start3A = arith.constant 0 : i32
    %dma_start3A_5 = arith.constant 0 : i32
    %dma_start3A_6 = tpu.memref_slice %arg6[%dma_start3A, %dma_start3A_5] : memref<112x224xf32, #tpu.memory_space<vmem>> -> memref<112x128xf32, #tpu.memory_space<vmem>>
    %dma_start3A_7 = arith.constant 0 : i32
    %dma_start3A_8 = tpu.memref_slice %arg2[%add3A_4, %dma_start3A_7] : memref<344064x224xf32, #tpu.memory_space<hbm>> -> memref<112x128xf32, #tpu.memory_space<hbm>>
    %dma_start3A_9 = arith.constant 0 : i32
    %dma_start3A_10 = arith.constant 0 : i32
    %dma_start3A_11 = tpu.memref_slice %arg6[%dma_start3A_9, %dma_start3A_10] : memref<112x224xf32, #tpu.memory_space<vmem>> -> memref<112x128xf32, #tpu.memory_space<vmem>>
    %dma_start3A_12 = arith.constant 0 : i32
    %dma_start3A_13 = tpu.memref_slice %arg2[%add3A_4, %dma_start3A_12] : memref<344064x224xf32, #tpu.memory_space<hbm>> -> memref<112x128xf32, #tpu.memory_space<hbm>>
    tpu.enqueue_dma source(%dma_start3A_13 : memref<112x128xf32, #tpu.memory_space<hbm>>) target(%dma_start3A_11 : memref<112x128xf32, #tpu.memory_space<vmem>>) target_semaphore(%arg11 : memref<!tpu.dma_semaphore, #tpu.memory_space<semaphore_mem>>)
    %dma_start3A_14 = arith.constant 0 : i32
    %dma_start3A_15 = arith.constant 128 : i32
    %dma_start3A_16 = tpu.memref_slice %arg6[%dma_start3A_14, %dma_start3A_15] : memref<112x224xf32, #tpu.memory_space<vmem>> -> memref<112x96xf32, #tpu.memory_space<vmem>>
    %dma_start3A_17 = arith.constant 128 : i32
    %dma_start3A_18 = tpu.memref_slice %arg2[%add3A_4, %dma_start3A_17] : memref<344064x224xf32, #tpu.memory_space<hbm>> -> memref<112x96xf32, #tpu.memory_space<hbm>>
    %dma_start3A_19 = arith.constant 0 : i32
    %dma_start3A_20 = arith.constant 128 : i32
    %dma_start3A_21 = tpu.memref_slice %arg6[%dma_start3A_19, %dma_start3A_20] : memref<112x224xf32, #tpu.memory_space<vmem>> -> memref<112x96xf32, #tpu.memory_space<vmem>>
    %dma_start3A_22 = arith.constant 128 : i32
    %dma_start3A_23 = tpu.memref_slice %arg2[%add3A_4, %dma_start3A_22] : memref<344064x224xf32, #tpu.memory_space<hbm>> -> memref<112x96xf32, #tpu.memory_space<hbm>>
    tpu.enqueue_dma source(%dma_start3A_23 : memref<112x96xf32, #tpu.memory_space<hbm>>) target(%dma_start3A_21 : memref<112x96xf32, #tpu.memory_space<vmem>>) target_semaphore(%arg11 : memref<!tpu.dma_semaphore, #tpu.memory_space<semaphore_mem>>)
    %add3A_24 = arith.constant 112 : i32
    %add3A_25 = arith.addi %mul3A_2, %add3A_24 : i32
    %dma_start3A_26 = arith.constant 0 : i32
    %dma_start3A_27 = arith.constant 0 : i32
    %dma_start3A_28 = tpu.memref_slice %arg7[%dma_start3A_26, %dma_start3A_27] : memref<112x224xf32, #tpu.memory_space<vmem>> -> memref<112x128xf32, #tpu.memory_space<vmem>>
    %dma_start3A_29 = arith.constant 0 : i32
    %dma_start3A_30 = tpu.memref_slice %arg2[%add3A_25, %dma_start3A_29] : memref<344064x224xf32, #tpu.memory_space<hbm>> -> memref<112x128xf32, #tpu.memory_space<hbm>>
    %dma_start3A_31 = arith.constant 0 : i32
    %dma_start3A_32 = arith.constant 0 : i32
    %dma_start3A_33 = tpu.memref_slice %arg7[%dma_start3A_31, %dma_start3A_32] : memref<112x224xf32, #tpu.memory_space<vmem>> -> memref<112x128xf32, #tpu.memory_space<vmem>>
    %dma_start3A_34 = arith.constant 0 : i32
    %dma_start3A_35 = tpu.memref_slice %arg2[%add3A_25, %dma_start3A_34] : memref<344064x224xf32, #tpu.memory_space<hbm>> -> memref<112x128xf32, #tpu.memory_space<hbm>>
    tpu.enqueue_dma source(%dma_start3A_35 : memref<112x128xf32, #tpu.memory_space<hbm>>) target(%dma_start3A_33 : memref<112x128xf32, #tpu.memory_space<vmem>>) target_semaphore(%arg12 : memref<!tpu.dma_semaphore, #tpu.memory_space<semaphore_mem>>)
    %dma_start3A_36 = arith.constant 0 : i32
    %dma_start3A_37 = arith.constant 128 : i32
    %dma_start3A_38 = tpu.memref_slice %arg7[%dma_start3A_36, %dma_start3A_37] : memref<112x224xf32, #tpu.memory_space<vmem>> -> memref<112x96xf32, #tpu.memory_space<vmem>>
    %dma_start3A_39 = arith.constant 128 : i32
    %dma_start3A_40 = tpu.memref_slice %arg2[%add3A_25, %dma_start3A_39] : memref<344064x224xf32, #tpu.memory_space<hbm>> -> memref<112x96xf32, #tpu.memory_space<hbm>>
    %dma_start3A_41 = arith.constant 0 : i32
    %dma_start3A_42 = arith.constant 128 : i32
    %dma_start3A_43 = tpu.memref_slice %arg7[%dma_start3A_41, %dma_start3A_42] : memref<112x224xf32, #tpu.memory_space<vmem>> -> memref<112x96xf32, #tpu.memory_space<vmem>>
    %dma_start3A_44 = arith.constant 128 : i32
    %dma_start3A_45 = tpu.memref_slice %arg2[%add3A_25, %dma_start3A_44] : memref<344064x224xf32, #tpu.memory_space<hbm>> -> memref<112x96xf32, #tpu.memory_space<hbm>>
    tpu.enqueue_dma source(%dma_start3A_45 : memref<112x96xf32, #tpu.memory_space<hbm>>) target(%dma_start3A_43 : memref<112x96xf32, #tpu.memory_space<vmem>>) target_semaphore(%arg12 : memref<!tpu.dma_semaphore, #tpu.memory_space<semaphore_mem>>)
    %scan3A = arith.constant 0 : i32
    %scan3A_46 = arith.constant 0 : i32
    %scan3A_47 = arith.constant 48 : i32
    %scan3A_48 = arith.addi %scan3A_46, %scan3A_47 : i32
    %scan3A_49 = arith.constant 1 : i32
    scf.for %scan3A_66 = %scan3A_46 to %scan3A_48 step %scan3A_49  : i32 {
      %mul3A_67 = arith.constant 2 : i32
      %mul3A_68 = arith.muli %mul3A_67, %scan3A_66 : i32
      %add3A_69 = arith.constant 0 : i32
      %add3A_70 = arith.addi %mul3A_68, %add3A_69 : i32
      %dma_wait3A_71 = arith.constant 0 : i32
      %dma_wait3A_72 = arith.constant 0 : i32
      %dma_wait3A_73 = tpu.memref_slice %arg6[%dma_wait3A_71, %dma_wait3A_72] : memref<112x224xf32, #tpu.memory_space<vmem>> -> memref<112x128xf32, #tpu.memory_space<vmem>>
      %dma_wait3A_74 = arith.constant 0 : i32
      %dma_wait3A_75 = arith.constant 0 : i32
      %dma_wait3A_76 = tpu.memref_slice %arg2[%dma_wait3A_74, %dma_wait3A_75] : memref<344064x224xf32, #tpu.memory_space<hbm>> -> memref<112x128xf32, #tpu.memory_space<hbm>>
      %dma_wait3A_77 = arith.constant 0 : i32
      %dma_wait3A_78 = arith.constant 0 : i32
      %dma_wait3A_79 = tpu.memref_slice %arg6[%dma_wait3A_77, %dma_wait3A_78] : memref<112x224xf32, #tpu.memory_space<vmem>> -> memref<112x128xf32, #tpu.memory_space<vmem>>
      %dma_wait3A_80 = arith.constant 0 : i32
      %dma_wait3A_81 = arith.constant 0 : i32
      %dma_wait3A_82 = tpu.memref_slice %arg2[%dma_wait3A_80, %dma_wait3A_81] : memref<344064x224xf32, #tpu.memory_space<hbm>> -> memref<112x128xf32, #tpu.memory_space<hbm>>
      tpu.wait_dma2 semaphore(%arg11 : memref<!tpu.dma_semaphore, #tpu.memory_space<semaphore_mem>>) src(%dma_wait3A_82 : memref<112x128xf32, #tpu.memory_space<hbm>>) dst(%dma_wait3A_79 : memref<112x128xf32, #tpu.memory_space<vmem>>)
      %dma_wait3A_83 = arith.constant 0 : i32
      %dma_wait3A_84 = arith.constant 128 : i32
      %dma_wait3A_85 = tpu.memref_slice %arg6[%dma_wait3A_83, %dma_wait3A_84] : memref<112x224xf32, #tpu.memory_space<vmem>> -> memref<112x96xf32, #tpu.memory_space<vmem>>
      %dma_wait3A_86 = arith.constant 0 : i32
      %dma_wait3A_87 = arith.constant 128 : i32
      %dma_wait3A_88 = tpu.memref_slice %arg2[%dma_wait3A_86, %dma_wait3A_87] : memref<344064x224xf32, #tpu.memory_space<hbm>> -> memref<112x96xf32, #tpu.memory_space<hbm>>
      %dma_wait3A_89 = arith.constant 0 : i32
      %dma_wait3A_90 = arith.constant 128 : i32
      %dma_wait3A_91 = tpu.memref_slice %arg6[%dma_wait3A_89, %dma_wait3A_90] : memref<112x224xf32, #tpu.memory_space<vmem>> -> memref<112x96xf32, #tpu.memory_space<vmem>>
      %dma_wait3A_92 = arith.constant 0 : i32
      %dma_wait3A_93 = arith.constant 128 : i32
      %dma_wait3A_94 = tpu.memref_slice %arg2[%dma_wait3A_92, %dma_wait3A_93] : memref<344064x224xf32, #tpu.memory_space<hbm>> -> memref<112x96xf32, #tpu.memory_space<hbm>>
      tpu.wait_dma2 semaphore(%arg11 : memref<!tpu.dma_semaphore, #tpu.memory_space<semaphore_mem>>) src(%dma_wait3A_94 : memref<112x96xf32, #tpu.memory_space<hbm>>) dst(%dma_wait3A_91 : memref<112x96xf32, #tpu.memory_space<vmem>>)
      %gt3A = arith.constant 0 : i32
      %gt3A_95 = arith.cmpi sgt, %scan3A_66, %gt3A : i32
      %convert_element_type3A = arith.extui %gt3A_95 : i1 to i32
      %cond3A = arith.constant 0 : i32
      %cond3A_96 = arith.cmpi ne, %convert_element_type3A, %cond3A : i32
      scf.if %cond3A_96 {
        %dma_wait3A_231 = arith.constant 0 : i32
        %dma_wait3A_232 = arith.constant 0 : i32
        %dma_wait3A_233 = arith.constant 0 : i32
        %dma_wait3A_234 = tpu.memref_slice %arg4[%dma_wait3A_232, %dma_wait3A_233] : memref<344064x128xf32, #tpu.memory_space<hbm>> -> memref<112x128xf32, #tpu.memory_space<hbm>>
        %dma_wait3A_235 = arith.constant 0 : i32
        %dma_wait3A_236 = arith.constant 0 : i32
        %dma_wait3A_237 = tpu.memref_slice %arg10[%arg1, %dma_wait3A_231, %dma_wait3A_235, %dma_wait3A_236] : memref<16x2x112x128xf32, #tpu.memory_space<vmem_shared>> -> memref<1x1x112x128xf32, #tpu.memory_space<vmem_shared>>
        %dma_wait3A_238 = tpu.memref_squeeze %dma_wait3A_237 : memref<1x1x112x128xf32, #tpu.memory_space<vmem_shared>> -> memref<112x128xf32, #tpu.memory_space<vmem_shared>>
        tpu.wait_dma2 semaphore(%arg15 : memref<!tpu.dma_semaphore, #tpu.memory_space<semaphore_mem>>) src(%dma_wait3A_238 : memref<112x128xf32, #tpu.memory_space<vmem_shared>>) dst(%dma_wait3A_234 : memref<112x128xf32, #tpu.memory_space<hbm>>)
      } else {
      }
      %get3A = arith.constant 0 : index
      %get3A_97 = tpu.vector_load %arg5[%get3A] {strides = array<i32>} : memref<128xi32, #tpu.memory_space<vmem>>, vector<16xi32>,
      %get3A_98 = arith.constant 16 : index
      %get3A_99 = tpu.vector_load %arg5[%get3A_98] {strides = array<i32>} : memref<128xi32, #tpu.memory_space<vmem>>, vector<16xi32>,
      %get3A_100 = arith.constant 32 : index
      %get3A_101 = tpu.vector_load %arg5[%get3A_100] {strides = array<i32>} : memref<128xi32, #tpu.memory_space<vmem>>, vector<16xi32>,
      %get3A_102 = arith.constant 48 : index
      %get3A_103 = tpu.vector_load %arg5[%get3A_102] {strides = array<i32>} : memref<128xi32, #tpu.memory_space<vmem>>, vector<16xi32>,
      %get3A_104 = arith.constant 64 : index
      %get3A_105 = tpu.vector_load %arg5[%get3A_104] {strides = array<i32>} : memref<128xi32, #tpu.memory_space<vmem>>, vector<16xi32>,
      %get3A_106 = arith.constant 80 : index
      %get3A_107 = tpu.vector_load %arg5[%get3A_106] {strides = array<i32>} : memref<128xi32, #tpu.memory_space<vmem>>, vector<16xi32>,
      %get3A_108 = arith.constant 96 : index
      %get3A_109 = tpu.vector_load %arg5[%get3A_108] {strides = array<i32>} : memref<128xi32, #tpu.memory_space<vmem>>, vector<16xi32>,
      %get3A_110 = arith.constant 112 : index
      %get3A_111 = tpu.vector_load %arg5[%get3A_110] {strides = array<i32>} : memref<128xi32, #tpu.memory_space<vmem>>, vector<16xi32>,
      %parallel_loop3A = arith.constant 0 : i32
      %parallel_loop3A_112 = arith.constant 112 : i32
      %parallel_loop3A_113 = arith.constant 1 : i32
      scf.for %parallel_loop3A_231 = %parallel_loop3A to %parallel_loop3A_112 step %parallel_loop3A_113  : i32 {
        %parallel_loop3A_232 = arith.constant 0 : i32
        %parallel_loop3A_233 = vector.broadcast %parallel_loop3A_232 : i32 to vector<16xi32>
        %parallel_loop3A_234 = vector.broadcast %parallel_loop3A_231 : i32 to vector<16xi32>
        %parallel_loop3A_235 = arith.addi %parallel_loop3A_233, %parallel_loop3A_234 : vector<16xi32>
        %parallel_loop3A_236 = tpu.vector_load_idx %arg6[%parallel_loop3A_235, %get3A_97] : memref<112x224xf32, #tpu.memory_space<vmem>>[vector<16xi32>, vector<16xi32>], vector<16xf32>,
        %parallel_loop3A_237 = arith.index_cast %parallel_loop3A_231 : i32 to index
        %parallel_loop3A_238 = arith.constant 0 : index
        %parallel_loop3A_239 = tpu.vector_load %arg8[%parallel_loop3A_237, %parallel_loop3A_238] {strides = array<i32>} : memref<112x128xf32, #tpu.memory_space<vmem>>, vector<16xf32>,
        tpu.vector_store %arg8[%parallel_loop3A_237, %parallel_loop3A_238], %parallel_loop3A_236 {strides = array<i32>} : memref<112x128xf32, #tpu.memory_space<vmem>>, vector<16xf32>,
        %parallel_loop3A_240 = tpu.vector_load_idx %arg6[%parallel_loop3A_235, %get3A_99] : memref<112x224xf32, #tpu.memory_space<vmem>>[vector<16xi32>, vector<16xi32>], vector<16xf32>,
        %parallel_loop3A_241 = arith.index_cast %parallel_loop3A_231 : i32 to index
        %parallel_loop3A_242 = arith.constant 16 : index
        %parallel_loop3A_243 = tpu.vector_load %arg8[%parallel_loop3A_241, %parallel_loop3A_242] {strides = array<i32>} : memref<112x128xf32, #tpu.memory_space<vmem>>, vector<16xf32>,
        tpu.vector_store %arg8[%parallel_loop3A_241, %parallel_loop3A_242], %parallel_loop3A_240 {strides = array<i32>} : memref<112x128xf32, #tpu.memory_space<vmem>>, vector<16xf32>,
        %parallel_loop3A_244 = tpu.vector_load_idx %arg6[%parallel_loop3A_235, %get3A_101] : memref<112x224xf32, #tpu.memory_space<vmem>>[vector<16xi32>, vector<16xi32>], vector<16xf32>,
        %parallel_loop3A_245 = arith.index_cast %parallel_loop3A_231 : i32 to index
        %parallel_loop3A_246 = arith.constant 32 : index
        %parallel_loop3A_247 = tpu.vector_load %arg8[%parallel_loop3A_245, %parallel_loop3A_246] {strides = array<i32>} : memref<112x128xf32, #tpu.memory_space<vmem>>, vector<16xf32>,
        tpu.vector_store %arg8[%parallel_loop3A_245, %parallel_loop3A_246], %parallel_loop3A_244 {strides = array<i32>} : memref<112x128xf32, #tpu.memory_space<vmem>>, vector<16xf32>,
        %parallel_loop3A_248 = tpu.vector_load_idx %arg6[%parallel_loop3A_235, %get3A_103] : memref<112x224xf32, #tpu.memory_space<vmem>>[vector<16xi32>, vector<16xi32>], vector<16xf32>,
        %parallel_loop3A_249 = arith.index_cast %parallel_loop3A_231 : i32 to index
        %parallel_loop3A_250 = arith.constant 48 : index
        %parallel_loop3A_251 = tpu.vector_load %arg8[%parallel_loop3A_249, %parallel_loop3A_250] {strides = array<i32>} : memref<112x128xf32, #tpu.memory_space<vmem>>, vector<16xf32>,
        tpu.vector_store %arg8[%parallel_loop3A_249, %parallel_loop3A_250], %parallel_loop3A_248 {strides = array<i32>} : memref<112x128xf32, #tpu.memory_space<vmem>>, vector<16xf32>,
        %parallel_loop3A_252 = tpu.vector_load_idx %arg6[%parallel_loop3A_235, %get3A_105] : memref<112x224xf32, #tpu.memory_space<vmem>>[vector<16xi32>, vector<16xi32>], vector<16xf32>,
        %parallel_loop3A_253 = arith.index_cast %parallel_loop3A_231 : i32 to index
        %parallel_loop3A_254 = arith.constant 64 : index
        %parallel_loop3A_255 = tpu.vector_load %arg8[%parallel_loop3A_253, %parallel_loop3A_254] {strides = array<i32>} : memref<112x128xf32, #tpu.memory_space<vmem>>, vector<16xf32>,
        tpu.vector_store %arg8[%parallel_loop3A_253, %parallel_loop3A_254], %parallel_loop3A_252 {strides = array<i32>} : memref<112x128xf32, #tpu.memory_space<vmem>>, vector<16xf32>,
        %parallel_loop3A_256 = tpu.vector_load_idx %arg6[%parallel_loop3A_235, %get3A_107] : memref<112x224xf32, #tpu.memory_space<vmem>>[vector<16xi32>, vector<16xi32>], vector<16xf32>,
        %parallel_loop3A_257 = arith.index_cast %parallel_loop3A_231 : i32 to index
        %parallel_loop3A_258 = arith.constant 80 : index
        %parallel_loop3A_259 = tpu.vector_load %arg8[%parallel_loop3A_257, %parallel_loop3A_258] {strides = array<i32>} : memref<112x128xf32, #tpu.memory_space<vmem>>, vector<16xf32>,
        tpu.vector_store %arg8[%parallel_loop3A_257, %parallel_loop3A_258], %parallel_loop3A_256 {strides = array<i32>} : memref<112x128xf32, #tpu.memory_space<vmem>>, vector<16xf32>,
        %parallel_loop3A_260 = tpu.vector_load_idx %arg6[%parallel_loop3A_235, %get3A_109] : memref<112x224xf32, #tpu.memory_space<vmem>>[vector<16xi32>, vector<16xi32>], vector<16xf32>,
        %parallel_loop3A_261 = arith.index_cast %parallel_loop3A_231 : i32 to index
        %parallel_loop3A_262 = arith.constant 96 : index
        %parallel_loop3A_263 = tpu.vector_load %arg8[%parallel_loop3A_261, %parallel_loop3A_262] {strides = array<i32>} : memref<112x128xf32, #tpu.memory_space<vmem>>, vector<16xf32>,
        tpu.vector_store %arg8[%parallel_loop3A_261, %parallel_loop3A_262], %parallel_loop3A_260 {strides = array<i32>} : memref<112x128xf32, #tpu.memory_space<vmem>>, vector<16xf32>,
        %parallel_loop3A_264 = tpu.vector_load_idx %arg6[%parallel_loop3A_235, %get3A_111] : memref<112x224xf32, #tpu.memory_space<vmem>>[vector<16xi32>, vector<16xi32>], vector<16xf32>,
        %parallel_loop3A_265 = arith.index_cast %parallel_loop3A_231 : i32 to index
        %parallel_loop3A_266 = arith.constant 112 : index
        %parallel_loop3A_267 = tpu.vector_load %arg8[%parallel_loop3A_265, %parallel_loop3A_266] {strides = array<i32>} : memref<112x128xf32, #tpu.memory_space<vmem>>, vector<16xf32>,
        tpu.vector_store %arg8[%parallel_loop3A_265, %parallel_loop3A_266], %parallel_loop3A_264 {strides = array<i32>} : memref<112x128xf32, #tpu.memory_space<vmem>>, vector<16xf32>,
      } {sc.loop_unroll_factor = 2 : i64, sc.parallel_access}
      %dma_start3A_114 = arith.constant 0 : i32
      %dma_start3A_115 = arith.constant 0 : i32
      %dma_start3A_116 = arith.constant 0 : i32
      %dma_start3A_117 = tpu.memref_slice %arg10[%arg1, %dma_start3A_114, %dma_start3A_115, %dma_start3A_116] : memref<16x2x112x128xf32, #tpu.memory_space<vmem_shared>> -> memref<1x1x112x128xf32, #tpu.memory_space<vmem_shared>>
      %dma_start3A_118 = tpu.memref_squeeze %dma_start3A_117 : memref<1x1x112x128xf32, #tpu.memory_space<vmem_shared>> -> memref<112x128xf32, #tpu.memory_space<vmem_shared>>
      %dma_start3A_119 = arith.constant 0 : i32
      %dma_start3A_120 = arith.constant 0 : i32
      %dma_start3A_121 = tpu.memref_slice %arg10[%arg1, %dma_start3A_114, %dma_start3A_119, %dma_start3A_120] : memref<16x2x112x128xf32, #tpu.memory_space<vmem_shared>> -> memref<1x1x112x128xf32, #tpu.memory_space<vmem_shared>>
      %dma_start3A_122 = tpu.memref_squeeze %dma_start3A_121 : memref<1x1x112x128xf32, #tpu.memory_space<vmem_shared>> -> memref<112x128xf32, #tpu.memory_space<vmem_shared>>
      tpu.enqueue_dma source(%arg8 : memref<112x128xf32, #tpu.memory_space<vmem>>) target(%dma_start3A_122 : memref<112x128xf32, #tpu.memory_space<vmem_shared>>) target_semaphore(%arg13 : memref<!tpu.dma_semaphore, #tpu.memory_space<semaphore_mem>>)
      %lt3A = arith.constant 47 : i32
      %lt3A_123 = arith.cmpi slt, %scan3A_66, %lt3A : i32
      %convert_element_type3A_124 = arith.extui %lt3A_123 : i1 to i32
      %cond3A_125 = arith.constant 0 : i32
      %cond3A_126 = arith.cmpi ne, %convert_element_type3A_124, %cond3A_125 : i32
      scf.if %cond3A_126 {
        %add3A_231 = arith.constant 2 : i32
        %add3A_232 = arith.addi %add3A_70, %add3A_231 : i32
        %mul3A_233 = arith.constant 112 : i32
        %mul3A_234 = arith.muli %add3A_232, %mul3A_233 : i32
        %add3A_235 = arith.addi %mul3A_2, %mul3A_234 : i32
        %dma_start3A_236 = arith.constant 0 : i32
        %dma_start3A_237 = arith.constant 0 : i32
        %dma_start3A_238 = tpu.memref_slice %arg6[%dma_start3A_236, %dma_start3A_237] : memref<112x224xf32, #tpu.memory_space<vmem>> -> memref<112x128xf32, #tpu.memory_space<vmem>>
        %dma_start3A_239 = arith.constant 0 : i32
        %dma_start3A_240 = tpu.memref_slice %arg2[%add3A_235, %dma_start3A_239] : memref<344064x224xf32, #tpu.memory_space<hbm>> -> memref<112x128xf32, #tpu.memory_space<hbm>>
        %dma_start3A_241 = arith.constant 0 : i32
        %dma_start3A_242 = arith.constant 0 : i32
        %dma_start3A_243 = tpu.memref_slice %arg6[%dma_start3A_241, %dma_start3A_242] : memref<112x224xf32, #tpu.memory_space<vmem>> -> memref<112x128xf32, #tpu.memory_space<vmem>>
        %dma_start3A_244 = arith.constant 0 : i32
        %dma_start3A_245 = tpu.memref_slice %arg2[%add3A_235, %dma_start3A_244] : memref<344064x224xf32, #tpu.memory_space<hbm>> -> memref<112x128xf32, #tpu.memory_space<hbm>>
        tpu.enqueue_dma source(%dma_start3A_245 : memref<112x128xf32, #tpu.memory_space<hbm>>) target(%dma_start3A_243 : memref<112x128xf32, #tpu.memory_space<vmem>>) target_semaphore(%arg11 : memref<!tpu.dma_semaphore, #tpu.memory_space<semaphore_mem>>)
        %dma_start3A_246 = arith.constant 0 : i32
        %dma_start3A_247 = arith.constant 128 : i32
        %dma_start3A_248 = tpu.memref_slice %arg6[%dma_start3A_246, %dma_start3A_247] : memref<112x224xf32, #tpu.memory_space<vmem>> -> memref<112x96xf32, #tpu.memory_space<vmem>>
        %dma_start3A_249 = arith.constant 128 : i32
        %dma_start3A_250 = tpu.memref_slice %arg2[%add3A_235, %dma_start3A_249] : memref<344064x224xf32, #tpu.memory_space<hbm>> -> memref<112x96xf32, #tpu.memory_space<hbm>>
        %dma_start3A_251 = arith.constant 0 : i32
        %dma_start3A_252 = arith.constant 128 : i32
        %dma_start3A_253 = tpu.memref_slice %arg6[%dma_start3A_251, %dma_start3A_252] : memref<112x224xf32, #tpu.memory_space<vmem>> -> memref<112x96xf32, #tpu.memory_space<vmem>>
        %dma_start3A_254 = arith.constant 128 : i32
        %dma_start3A_255 = tpu.memref_slice %arg2[%add3A_235, %dma_start3A_254] : memref<344064x224xf32, #tpu.memory_space<hbm>> -> memref<112x96xf32, #tpu.memory_space<hbm>>
        tpu.enqueue_dma source(%dma_start3A_255 : memref<112x96xf32, #tpu.memory_space<hbm>>) target(%dma_start3A_253 : memref<112x96xf32, #tpu.memory_space<vmem>>) target_semaphore(%arg11 : memref<!tpu.dma_semaphore, #tpu.memory_space<semaphore_mem>>)
      } else {
      }
      %dma_wait3A_127 = arith.constant 0 : i32
      %dma_wait3A_128 = arith.constant 0 : i32
      %dma_wait3A_129 = arith.constant 0 : i32
      %dma_wait3A_130 = tpu.memref_slice %arg10[%arg1, %dma_wait3A_127, %dma_wait3A_128, %dma_wait3A_129] : memref<16x2x112x128xf32, #tpu.memory_space<vmem_shared>> -> memref<1x1x112x128xf32, #tpu.memory_space<vmem_shared>>
      %dma_wait3A_131 = tpu.memref_squeeze %dma_wait3A_130 : memref<1x1x112x128xf32, #tpu.memory_space<vmem_shared>> -> memref<112x128xf32, #tpu.memory_space<vmem_shared>>
      %dma_wait3A_132 = arith.constant 0 : i32
      %dma_wait3A_133 = arith.constant 0 : i32
      %dma_wait3A_134 = tpu.memref_slice %arg10[%arg1, %dma_wait3A_127, %dma_wait3A_132, %dma_wait3A_133] : memref<16x2x112x128xf32, #tpu.memory_space<vmem_shared>> -> memref<1x1x112x128xf32, #tpu.memory_space<vmem_shared>>
      %dma_wait3A_135 = tpu.memref_squeeze %dma_wait3A_134 : memref<1x1x112x128xf32, #tpu.memory_space<vmem_shared>> -> memref<112x128xf32, #tpu.memory_space<vmem_shared>>
      tpu.wait_dma2 semaphore(%arg13 : memref<!tpu.dma_semaphore, #tpu.memory_space<semaphore_mem>>) src(%arg8 : memref<112x128xf32, #tpu.memory_space<vmem>>) dst(%dma_wait3A_135 : memref<112x128xf32, #tpu.memory_space<vmem_shared>>)
      %mul3A_136 = arith.constant 112 : i32
      %mul3A_137 = arith.muli %add3A_70, %mul3A_136 : i32
      %add3A_138 = arith.addi %mul3A_2, %mul3A_137 : i32
      %dma_start3A_139 = arith.constant 0 : i32
      %dma_start3A_140 = arith.constant 0 : i32
      %dma_start3A_141 = tpu.memref_slice %arg4[%add3A_138, %dma_start3A_140] : memref<344064x128xf32, #tpu.memory_space<hbm>> -> memref<112x128xf32, #tpu.memory_space<hbm>>
      %dma_start3A_142 = arith.constant 0 : i32
      %dma_start3A_143 = arith.constant 0 : i32
      %dma_start3A_144 = tpu.memref_slice %arg10[%arg1, %dma_start3A_139, %dma_start3A_142, %dma_start3A_143] : memref<16x2x112x128xf32, #tpu.memory_space<vmem_shared>> -> memref<1x1x112x128xf32, #tpu.memory_space<vmem_shared>>
      %dma_start3A_145 = tpu.memref_squeeze %dma_start3A_144 : memref<1x1x112x128xf32, #tpu.memory_space<vmem_shared>> -> memref<112x128xf32, #tpu.memory_space<vmem_shared>>
      tpu.enqueue_dma source(%dma_start3A_145 : memref<112x128xf32, #tpu.memory_space<vmem_shared>>) target(%dma_start3A_141 : memref<112x128xf32, #tpu.memory_space<hbm>>) target_semaphore(%arg15 : memref<!tpu.dma_semaphore, #tpu.memory_space<semaphore_mem>>)
      %mul3A_146 = arith.constant 2 : i32
      %mul3A_147 = arith.muli %mul3A_146, %scan3A_66 : i32
      %add3A_148 = arith.constant 1 : i32
      %add3A_149 = arith.addi %mul3A_147, %add3A_148 : i32
      %dma_wait3A_150 = arith.constant 0 : i32
      %dma_wait3A_151 = arith.constant 0 : i32
      %dma_wait3A_152 = tpu.memref_slice %arg7[%dma_wait3A_150, %dma_wait3A_151] : memref<112x224xf32, #tpu.memory_space<vmem>> -> memref<112x128xf32, #tpu.memory_space<vmem>>
      %dma_wait3A_153 = arith.constant 0 : i32
      %dma_wait3A_154 = arith.constant 0 : i32
      %dma_wait3A_155 = tpu.memref_slice %arg2[%dma_wait3A_153, %dma_wait3A_154] : memref<344064x224xf32, #tpu.memory_space<hbm>> -> memref<112x128xf32, #tpu.memory_space<hbm>>
      %dma_wait3A_156 = arith.constant 0 : i32
      %dma_wait3A_157 = arith.constant 0 : i32
      %dma_wait3A_158 = tpu.memref_slice %arg7[%dma_wait3A_156, %dma_wait3A_157] : memref<112x224xf32, #tpu.memory_space<vmem>> -> memref<112x128xf32, #tpu.memory_space<vmem>>
      %dma_wait3A_159 = arith.constant 0 : i32
      %dma_wait3A_160 = arith.constant 0 : i32
      %dma_wait3A_161 = tpu.memref_slice %arg2[%dma_wait3A_159, %dma_wait3A_160] : memref<344064x224xf32, #tpu.memory_space<hbm>> -> memref<112x128xf32, #tpu.memory_space<hbm>>
      tpu.wait_dma2 semaphore(%arg12 : memref<!tpu.dma_semaphore, #tpu.memory_space<semaphore_mem>>) src(%dma_wait3A_161 : memref<112x128xf32, #tpu.memory_space<hbm>>) dst(%dma_wait3A_158 : memref<112x128xf32, #tpu.memory_space<vmem>>)
      %dma_wait3A_162 = arith.constant 0 : i32
      %dma_wait3A_163 = arith.constant 128 : i32
      %dma_wait3A_164 = tpu.memref_slice %arg7[%dma_wait3A_162, %dma_wait3A_163] : memref<112x224xf32, #tpu.memory_space<vmem>> -> memref<112x96xf32, #tpu.memory_space<vmem>>
      %dma_wait3A_165 = arith.constant 0 : i32
      %dma_wait3A_166 = arith.constant 128 : i32
      %dma_wait3A_167 = tpu.memref_slice %arg2[%dma_wait3A_165, %dma_wait3A_166] : memref<344064x224xf32, #tpu.memory_space<hbm>> -> memref<112x96xf32, #tpu.memory_space<hbm>>
      %dma_wait3A_168 = arith.constant 0 : i32
      %dma_wait3A_169 = arith.constant 128 : i32
      %dma_wait3A_170 = tpu.memref_slice %arg7[%dma_wait3A_168, %dma_wait3A_169] : memref<112x224xf32, #tpu.memory_space<vmem>> -> memref<112x96xf32, #tpu.memory_space<vmem>>
      %dma_wait3A_171 = arith.constant 0 : i32
      %dma_wait3A_172 = arith.constant 128 : i32
      %dma_wait3A_173 = tpu.memref_slice %arg2[%dma_wait3A_171, %dma_wait3A_172] : memref<344064x224xf32, #tpu.memory_space<hbm>> -> memref<112x96xf32, #tpu.memory_space<hbm>>
      tpu.wait_dma2 semaphore(%arg12 : memref<!tpu.dma_semaphore, #tpu.memory_space<semaphore_mem>>) src(%dma_wait3A_173 : memref<112x96xf32, #tpu.memory_space<hbm>>) dst(%dma_wait3A_170 : memref<112x96xf32, #tpu.memory_space<vmem>>)
      %gt3A_174 = arith.constant 0 : i32
      %gt3A_175 = arith.cmpi sgt, %scan3A_66, %gt3A_174 : i32
      %convert_element_type3A_176 = arith.extui %gt3A_175 : i1 to i32
      %cond3A_177 = arith.constant 0 : i32
      %cond3A_178 = arith.cmpi ne, %convert_element_type3A_176, %cond3A_177 : i32
      scf.if %cond3A_178 {
        %dma_wait3A_231 = arith.constant 1 : i32
        %dma_wait3A_232 = arith.constant 0 : i32
        %dma_wait3A_233 = arith.constant 0 : i32
        %dma_wait3A_234 = tpu.memref_slice %arg4[%dma_wait3A_232, %dma_wait3A_233] : memref<344064x128xf32, #tpu.memory_space<hbm>> -> memref<112x128xf32, #tpu.memory_space<hbm>>
        %dma_wait3A_235 = arith.constant 0 : i32
        %dma_wait3A_236 = arith.constant 0 : i32
        %dma_wait3A_237 = tpu.memref_slice %arg10[%arg1, %dma_wait3A_231, %dma_wait3A_235, %dma_wait3A_236] : memref<16x2x112x128xf32, #tpu.memory_space<vmem_shared>> -> memref<1x1x112x128xf32, #tpu.memory_space<vmem_shared>>
        %dma_wait3A_238 = tpu.memref_squeeze %dma_wait3A_237 : memref<1x1x112x128xf32, #tpu.memory_space<vmem_shared>> -> memref<112x128xf32, #tpu.memory_space<vmem_shared>>
        tpu.wait_dma2 semaphore(%arg16 : memref<!tpu.dma_semaphore, #tpu.memory_space<semaphore_mem>>) src(%dma_wait3A_238 : memref<112x128xf32, #tpu.memory_space<vmem_shared>>) dst(%dma_wait3A_234 : memref<112x128xf32, #tpu.memory_space<hbm>>)
      } else {
      }
      %get3A_179 = arith.constant 0 : index
      %get3A_180 = tpu.vector_load %arg5[%get3A_179] {strides = array<i32>} : memref<128xi32, #tpu.memory_space<vmem>>, vector<16xi32>,
      %get3A_181 = arith.constant 16 : index
      %get3A_182 = tpu.vector_load %arg5[%get3A_181] {strides = array<i32>} : memref<128xi32, #tpu.memory_space<vmem>>, vector<16xi32>,
      %get3A_183 = arith.constant 32 : index
      %get3A_184 = tpu.vector_load %arg5[%get3A_183] {strides = array<i32>} : memref<128xi32, #tpu.memory_space<vmem>>, vector<16xi32>,
      %get3A_185 = arith.constant 48 : index
      %get3A_186 = tpu.vector_load %arg5[%get3A_185] {strides = array<i32>} : memref<128xi32, #tpu.memory_space<vmem>>, vector<16xi32>,
      %get3A_187 = arith.constant 64 : index
      %get3A_188 = tpu.vector_load %arg5[%get3A_187] {strides = array<i32>} : memref<128xi32, #tpu.memory_space<vmem>>, vector<16xi32>,
      %get3A_189 = arith.constant 80 : index
      %get3A_190 = tpu.vector_load %arg5[%get3A_189] {strides = array<i32>} : memref<128xi32, #tpu.memory_space<vmem>>, vector<16xi32>,
      %get3A_191 = arith.constant 96 : index
      %get3A_192 = tpu.vector_load %arg5[%get3A_191] {strides = array<i32>} : memref<128xi32, #tpu.memory_space<vmem>>, vector<16xi32>,
      %get3A_193 = arith.constant 112 : index
      %get3A_194 = tpu.vector_load %arg5[%get3A_193] {strides = array<i32>} : memref<128xi32, #tpu.memory_space<vmem>>, vector<16xi32>,
      %parallel_loop3A_195 = arith.constant 0 : i32
      %parallel_loop3A_196 = arith.constant 112 : i32
      %parallel_loop3A_197 = arith.constant 1 : i32
      scf.for %parallel_loop3A_231 = %parallel_loop3A_195 to %parallel_loop3A_196 step %parallel_loop3A_197  : i32 {
        %parallel_loop3A_232 = arith.constant 0 : i32
        %parallel_loop3A_233 = vector.broadcast %parallel_loop3A_232 : i32 to vector<16xi32>
        %parallel_loop3A_234 = vector.broadcast %parallel_loop3A_231 : i32 to vector<16xi32>
        %parallel_loop3A_235 = arith.addi %parallel_loop3A_233, %parallel_loop3A_234 : vector<16xi32>
        %parallel_loop3A_236 = tpu.vector_load_idx %arg7[%parallel_loop3A_235, %get3A_180] : memref<112x224xf32, #tpu.memory_space<vmem>>[vector<16xi32>, vector<16xi32>], vector<16xf32>,
        %parallel_loop3A_237 = arith.index_cast %parallel_loop3A_231 : i32 to index
        %parallel_loop3A_238 = arith.constant 0 : index
        %parallel_loop3A_239 = tpu.vector_load %arg9[%parallel_loop3A_237, %parallel_loop3A_238] {strides = array<i32>} : memref<112x128xf32, #tpu.memory_space<vmem>>, vector<16xf32>,
        tpu.vector_store %arg9[%parallel_loop3A_237, %parallel_loop3A_238], %parallel_loop3A_236 {strides = array<i32>} : memref<112x128xf32, #tpu.memory_space<vmem>>, vector<16xf32>,
        %parallel_loop3A_240 = tpu.vector_load_idx %arg7[%parallel_loop3A_235, %get3A_182] : memref<112x224xf32, #tpu.memory_space<vmem>>[vector<16xi32>, vector<16xi32>], vector<16xf32>,
        %parallel_loop3A_241 = arith.index_cast %parallel_loop3A_231 : i32 to index
        %parallel_loop3A_242 = arith.constant 16 : index
        %parallel_loop3A_243 = tpu.vector_load %arg9[%parallel_loop3A_241, %parallel_loop3A_242] {strides = array<i32>} : memref<112x128xf32, #tpu.memory_space<vmem>>, vector<16xf32>,
        tpu.vector_store %arg9[%parallel_loop3A_241, %parallel_loop3A_242], %parallel_loop3A_240 {strides = array<i32>} : memref<112x128xf32, #tpu.memory_space<vmem>>, vector<16xf32>,
        %parallel_loop3A_244 = tpu.vector_load_idx %arg7[%parallel_loop3A_235, %get3A_184] : memref<112x224xf32, #tpu.memory_space<vmem>>[vector<16xi32>, vector<16xi32>], vector<16xf32>,
        %parallel_loop3A_245 = arith.index_cast %parallel_loop3A_231 : i32 to index
        %parallel_loop3A_246 = arith.constant 32 : index
        %parallel_loop3A_247 = tpu.vector_load %arg9[%parallel_loop3A_245, %parallel_loop3A_246] {strides = array<i32>} : memref<112x128xf32, #tpu.memory_space<vmem>>, vector<16xf32>,
        tpu.vector_store %arg9[%parallel_loop3A_245, %parallel_loop3A_246], %parallel_loop3A_244 {strides = array<i32>} : memref<112x128xf32, #tpu.memory_space<vmem>>, vector<16xf32>,
        %parallel_loop3A_248 = tpu.vector_load_idx %arg7[%parallel_loop3A_235, %get3A_186] : memref<112x224xf32, #tpu.memory_space<vmem>>[vector<16xi32>, vector<16xi32>], vector<16xf32>,
        %parallel_loop3A_249 = arith.index_cast %parallel_loop3A_231 : i32 to index
        %parallel_loop3A_250 = arith.constant 48 : index
        %parallel_loop3A_251 = tpu.vector_load %arg9[%parallel_loop3A_249, %parallel_loop3A_250] {strides = array<i32>} : memref<112x128xf32, #tpu.memory_space<vmem>>, vector<16xf32>,
        tpu.vector_store %arg9[%parallel_loop3A_249, %parallel_loop3A_250], %parallel_loop3A_248 {strides = array<i32>} : memref<112x128xf32, #tpu.memory_space<vmem>>, vector<16xf32>,
        %parallel_loop3A_252 = tpu.vector_load_idx %arg7[%parallel_loop3A_235, %get3A_188] : memref<112x224xf32, #tpu.memory_space<vmem>>[vector<16xi32>, vector<16xi32>], vector<16xf32>,
        %parallel_loop3A_253 = arith.index_cast %parallel_loop3A_231 : i32 to index
        %parallel_loop3A_254 = arith.constant 64 : index
        %parallel_loop3A_255 = tpu.vector_load %arg9[%parallel_loop3A_253, %parallel_loop3A_254] {strides = array<i32>} : memref<112x128xf32, #tpu.memory_space<vmem>>, vector<16xf32>,
        tpu.vector_store %arg9[%parallel_loop3A_253, %parallel_loop3A_254], %parallel_loop3A_252 {strides = array<i32>} : memref<112x128xf32, #tpu.memory_space<vmem>>, vector<16xf32>,
        %parallel_loop3A_256 = tpu.vector_load_idx %arg7[%parallel_loop3A_235, %get3A_190] : memref<112x224xf32, #tpu.memory_space<vmem>>[vector<16xi32>, vector<16xi32>], vector<16xf32>,
        %parallel_loop3A_257 = arith.index_cast %parallel_loop3A_231 : i32 to index
        %parallel_loop3A_258 = arith.constant 80 : index
        %parallel_loop3A_259 = tpu.vector_load %arg9[%parallel_loop3A_257, %parallel_loop3A_258] {strides = array<i32>} : memref<112x128xf32, #tpu.memory_space<vmem>>, vector<16xf32>,
        tpu.vector_store %arg9[%parallel_loop3A_257, %parallel_loop3A_258], %parallel_loop3A_256 {strides = array<i32>} : memref<112x128xf32, #tpu.memory_space<vmem>>, vector<16xf32>,
        %parallel_loop3A_260 = tpu.vector_load_idx %arg7[%parallel_loop3A_235, %get3A_192] : memref<112x224xf32, #tpu.memory_space<vmem>>[vector<16xi32>, vector<16xi32>], vector<16xf32>,
        %parallel_loop3A_261 = arith.index_cast %parallel_loop3A_231 : i32 to index
        %parallel_loop3A_262 = arith.constant 96 : index
        %parallel_loop3A_263 = tpu.vector_load %arg9[%parallel_loop3A_261, %parallel_loop3A_262] {strides = array<i32>} : memref<112x128xf32, #tpu.memory_space<vmem>>, vector<16xf32>,
        tpu.vector_store %arg9[%parallel_loop3A_261, %parallel_loop3A_262], %parallel_loop3A_260 {strides = array<i32>} : memref<112x128xf32, #tpu.memory_space<vmem>>, vector<16xf32>,
        %parallel_loop3A_264 = tpu.vector_load_idx %arg7[%parallel_loop3A_235, %get3A_194] : memref<112x224xf32, #tpu.memory_space<vmem>>[vector<16xi32>, vector<16xi32>], vector<16xf32>,
        %parallel_loop3A_265 = arith.index_cast %parallel_loop3A_231 : i32 to index
        %parallel_loop3A_266 = arith.constant 112 : index
        %parallel_loop3A_267 = tpu.vector_load %arg9[%parallel_loop3A_265, %parallel_loop3A_266] {strides = array<i32>} : memref<112x128xf32, #tpu.memory_space<vmem>>, vector<16xf32>,
        tpu.vector_store %arg9[%parallel_loop3A_265, %parallel_loop3A_266], %parallel_loop3A_264 {strides = array<i32>} : memref<112x128xf32, #tpu.memory_space<vmem>>, vector<16xf32>,
      } {sc.loop_unroll_factor = 2 : i64, sc.parallel_access}
      %dma_start3A_198 = arith.constant 1 : i32
      %dma_start3A_199 = arith.constant 0 : i32
      %dma_start3A_200 = arith.constant 0 : i32
      %dma_start3A_201 = tpu.memref_slice %arg10[%arg1, %dma_start3A_198, %dma_start3A_199, %dma_start3A_200] : memref<16x2x112x128xf32, #tpu.memory_space<vmem_shared>> -> memref<1x1x112x128xf32, #tpu.memory_space<vmem_shared>>
      %dma_start3A_202 = tpu.memref_squeeze %dma_start3A_201 : memref<1x1x112x128xf32, #tpu.memory_space<vmem_shared>> -> memref<112x128xf32, #tpu.memory_space<vmem_shared>>
      %dma_start3A_203 = arith.constant 0 : i32
      %dma_start3A_204 = arith.constant 0 : i32
      %dma_start3A_205 = tpu.memref_slice %arg10[%arg1, %dma_start3A_198, %dma_start3A_203, %dma_start3A_204] : memref<16x2x112x128xf32, #tpu.memory_space<vmem_shared>> -> memref<1x1x112x128xf32, #tpu.memory_space<vmem_shared>>
      %dma_start3A_206 = tpu.memref_squeeze %dma_start3A_205 : memref<1x1x112x128xf32, #tpu.memory_space<vmem_shared>> -> memref<112x128xf32, #tpu.memory_space<vmem_shared>>
      tpu.enqueue_dma source(%arg9 : memref<112x128xf32, #tpu.memory_space<vmem>>) target(%dma_start3A_206 : memref<112x128xf32, #tpu.memory_space<vmem_shared>>) target_semaphore(%arg14 : memref<!tpu.dma_semaphore, #tpu.memory_space<semaphore_mem>>)
      %lt3A_207 = arith.constant 47 : i32
      %lt3A_208 = arith.cmpi slt, %scan3A_66, %lt3A_207 : i32
      %convert_element_type3A_209 = arith.extui %lt3A_208 : i1 to i32
      %cond3A_210 = arith.constant 0 : i32
      %cond3A_211 = arith.cmpi ne, %convert_element_type3A_209, %cond3A_210 : i32
      scf.if %cond3A_211 {
        %add3A_231 = arith.constant 2 : i32
        %add3A_232 = arith.addi %add3A_149, %add3A_231 : i32
        %mul3A_233 = arith.constant 112 : i32
        %mul3A_234 = arith.muli %add3A_232, %mul3A_233 : i32
        %add3A_235 = arith.addi %mul3A_2, %mul3A_234 : i32
        %dma_start3A_236 = arith.constant 0 : i32
        %dma_start3A_237 = arith.constant 0 : i32
        %dma_start3A_238 = tpu.memref_slice %arg7[%dma_start3A_236, %dma_start3A_237] : memref<112x224xf32, #tpu.memory_space<vmem>> -> memref<112x128xf32, #tpu.memory_space<vmem>>
        %dma_start3A_239 = arith.constant 0 : i32
        %dma_start3A_240 = tpu.memref_slice %arg2[%add3A_235, %dma_start3A_239] : memref<344064x224xf32, #tpu.memory_space<hbm>> -> memref<112x128xf32, #tpu.memory_space<hbm>>
        %dma_start3A_241 = arith.constant 0 : i32
        %dma_start3A_242 = arith.constant 0 : i32
        %dma_start3A_243 = tpu.memref_slice %arg7[%dma_start3A_241, %dma_start3A_242] : memref<112x224xf32, #tpu.memory_space<vmem>> -> memref<112x128xf32, #tpu.memory_space<vmem>>
        %dma_start3A_244 = arith.constant 0 : i32
        %dma_start3A_245 = tpu.memref_slice %arg2[%add3A_235, %dma_start3A_244] : memref<344064x224xf32, #tpu.memory_space<hbm>> -> memref<112x128xf32, #tpu.memory_space<hbm>>
        tpu.enqueue_dma source(%dma_start3A_245 : memref<112x128xf32, #tpu.memory_space<hbm>>) target(%dma_start3A_243 : memref<112x128xf32, #tpu.memory_space<vmem>>) target_semaphore(%arg12 : memref<!tpu.dma_semaphore, #tpu.memory_space<semaphore_mem>>)
        %dma_start3A_246 = arith.constant 0 : i32
        %dma_start3A_247 = arith.constant 128 : i32
        %dma_start3A_248 = tpu.memref_slice %arg7[%dma_start3A_246, %dma_start3A_247] : memref<112x224xf32, #tpu.memory_space<vmem>> -> memref<112x96xf32, #tpu.memory_space<vmem>>
        %dma_start3A_249 = arith.constant 128 : i32
        %dma_start3A_250 = tpu.memref_slice %arg2[%add3A_235, %dma_start3A_249] : memref<344064x224xf32, #tpu.memory_space<hbm>> -> memref<112x96xf32, #tpu.memory_space<hbm>>
        %dma_start3A_251 = arith.constant 0 : i32
        %dma_start3A_252 = arith.constant 128 : i32
        %dma_start3A_253 = tpu.memref_slice %arg7[%dma_start3A_251, %dma_start3A_252] : memref<112x224xf32, #tpu.memory_space<vmem>> -> memref<112x96xf32, #tpu.memory_space<vmem>>
        %dma_start3A_254 = arith.constant 128 : i32
        %dma_start3A_255 = tpu.memref_slice %arg2[%add3A_235, %dma_start3A_254] : memref<344064x224xf32, #tpu.memory_space<hbm>> -> memref<112x96xf32, #tpu.memory_space<hbm>>
        tpu.enqueue_dma source(%dma_start3A_255 : memref<112x96xf32, #tpu.memory_space<hbm>>) target(%dma_start3A_253 : memref<112x96xf32, #tpu.memory_space<vmem>>) target_semaphore(%arg12 : memref<!tpu.dma_semaphore, #tpu.memory_space<semaphore_mem>>)
      } else {
      }
      %dma_wait3A_212 = arith.constant 1 : i32
      %dma_wait3A_213 = arith.constant 0 : i32
      %dma_wait3A_214 = arith.constant 0 : i32
      %dma_wait3A_215 = tpu.memref_slice %arg10[%arg1, %dma_wait3A_212, %dma_wait3A_213, %dma_wait3A_214] : memref<16x2x112x128xf32, #tpu.memory_space<vmem_shared>> -> memref<1x1x112x128xf32, #tpu.memory_space<vmem_shared>>
      %dma_wait3A_216 = tpu.memref_squeeze %dma_wait3A_215 : memref<1x1x112x128xf32, #tpu.memory_space<vmem_shared>> -> memref<112x128xf32, #tpu.memory_space<vmem_shared>>
      %dma_wait3A_217 = arith.constant 0 : i32
      %dma_wait3A_218 = arith.constant 0 : i32
      %dma_wait3A_219 = tpu.memref_slice %arg10[%arg1, %dma_wait3A_212, %dma_wait3A_217, %dma_wait3A_218] : memref<16x2x112x128xf32, #tpu.memory_space<vmem_shared>> -> memref<1x1x112x128xf32, #tpu.memory_space<vmem_shared>>
      %dma_wait3A_220 = tpu.memref_squeeze %dma_wait3A_219 : memref<1x1x112x128xf32, #tpu.memory_space<vmem_shared>> -> memref<112x128xf32, #tpu.memory_space<vmem_shared>>
      tpu.wait_dma2 semaphore(%arg14 : memref<!tpu.dma_semaphore, #tpu.memory_space<semaphore_mem>>) src(%arg9 : memref<112x128xf32, #tpu.memory_space<vmem>>) dst(%dma_wait3A_220 : memref<112x128xf32, #tpu.memory_space<vmem_shared>>)
      %mul3A_221 = arith.constant 112 : i32
      %mul3A_222 = arith.muli %add3A_149, %mul3A_221 : i32
      %add3A_223 = arith.addi %mul3A_2, %mul3A_222 : i32
      %dma_start3A_224 = arith.constant 1 : i32
      %dma_start3A_225 = arith.constant 0 : i32
      %dma_start3A_226 = tpu.memref_slice %arg4[%add3A_223, %dma_start3A_225] : memref<344064x128xf32, #tpu.memory_space<hbm>> -> memref<112x128xf32, #tpu.memory_space<hbm>>
      %dma_start3A_227 = arith.constant 0 : i32
      %dma_start3A_228 = arith.constant 0 : i32
      %dma_start3A_229 = tpu.memref_slice %arg10[%arg1, %dma_start3A_224, %dma_start3A_227, %dma_start3A_228] : memref<16x2x112x128xf32, #tpu.memory_space<vmem_shared>> -> memref<1x1x112x128xf32, #tpu.memory_space<vmem_shared>>
      %dma_start3A_230 = tpu.memref_squeeze %dma_start3A_229 : memref<1x1x112x128xf32, #tpu.memory_space<vmem_shared>> -> memref<112x128xf32, #tpu.memory_space<vmem_shared>>
      tpu.enqueue_dma source(%dma_start3A_230 : memref<112x128xf32, #tpu.memory_space<vmem_shared>>) target(%dma_start3A_226 : memref<112x128xf32, #tpu.memory_space<hbm>>) target_semaphore(%arg16 : memref<!tpu.dma_semaphore, #tpu.memory_space<semaphore_mem>>)
    }
    %scan3A_50 = arith.constant 48 : i32
    %dma_wait3A = arith.constant 0 : i32
    %dma_wait3A_51 = arith.constant 0 : i32
    %dma_wait3A_52 = arith.constant 0 : i32
    %dma_wait3A_53 = tpu.memref_slice %arg4[%dma_wait3A_51, %dma_wait3A_52] : memref<344064x128xf32, #tpu.memory_space<hbm>> -> memref<112x128xf32, #tpu.memory_space<hbm>>
    %dma_wait3A_54 = arith.constant 0 : i32
    %dma_wait3A_55 = arith.constant 0 : i32
    %dma_wait3A_56 = tpu.memref_slice %arg10[%arg1, %dma_wait3A, %dma_wait3A_54, %dma_wait3A_55] : memref<16x2x112x128xf32, #tpu.memory_space<vmem_shared>> -> memref<1x1x112x128xf32, #tpu.memory_space<vmem_shared>>
    %dma_wait3A_57 = tpu.memref_squeeze %dma_wait3A_56 : memref<1x1x112x128xf32, #tpu.memory_space<vmem_shared>> -> memref<112x128xf32, #tpu.memory_space<vmem_shared>>
    tpu.wait_dma2 semaphore(%arg15 : memref<!tpu.dma_semaphore, #tpu.memory_space<semaphore_mem>>) src(%dma_wait3A_57 : memref<112x128xf32, #tpu.memory_space<vmem_shared>>) dst(%dma_wait3A_53 : memref<112x128xf32, #tpu.memory_space<hbm>>)
    %dma_wait3A_58 = arith.constant 1 : i32
    %dma_wait3A_59 = arith.constant 0 : i32
    %dma_wait3A_60 = arith.constant 0 : i32
    %dma_wait3A_61 = tpu.memref_slice %arg4[%dma_wait3A_59, %dma_wait3A_60] : memref<344064x128xf32, #tpu.memory_space<hbm>> -> memref<112x128xf32, #tpu.memory_space<hbm>>
    %dma_wait3A_62 = arith.constant 0 : i32
    %dma_wait3A_63 = arith.constant 0 : i32
    %dma_wait3A_64 = tpu.memref_slice %arg10[%arg1, %dma_wait3A_58, %dma_wait3A_62, %dma_wait3A_63] : memref<16x2x112x128xf32, #tpu.memory_space<vmem_shared>> -> memref<1x1x112x128xf32, #tpu.memory_space<vmem_shared>>
    %dma_wait3A_65 = tpu.memref_squeeze %dma_wait3A_64 : memref<1x1x112x128xf32, #tpu.memory_space<vmem_shared>> -> memref<112x128xf32, #tpu.memory_space<vmem_shared>>
    tpu.wait_dma2 semaphore(%arg16 : memref<!tpu.dma_semaphore, #tpu.memory_space<semaphore_mem>>) src(%dma_wait3A_65 : memref<112x128xf32, #tpu.memory_space<vmem_shared>>) dst(%dma_wait3A_61 : memref<112x128xf32, #tpu.memory_space<hbm>>)
    return
  }
}

module attributes {stable_mosaic.version = 14 : i64} {
  func.func @_topk_body(%arg0: memref<8x224xf32, #tpu.memory_space<vmem>>, %arg1: memref<1x128xi32, #tpu.memory_space<vmem>>) attributes {dimension_semantics = [], scalar_prefetch = 0 : i64, scratch_operands = 0 : i64, tpu.core_type = #tpu.core_type<tc>} {
    %get3A = arith.constant 0 : index
    %get3A_0 = arith.constant 0 : index
    %get3A_1 = vector.load %arg0[%get3A, %get3A_0] : memref<8x224xf32, #tpu.memory_space<vmem>>, vector<8x224xf32>
    %reduce_sum3A = arith.constant dense<0.000000e+00> : vector<224xf32>
    %reduce_sum3A_2 = vector.multi_reduction <add>, %get3A_1, %reduce_sum3A [0] : vector<8x224xf32> to vector<224xf32>
    %broadcast_in_dim3A = vector.shape_cast %reduce_sum3A_2 : vector<224xf32> to vector<1x224xf32>
    %iota3A = tpu.iota {dimensions = array<i32: 0>} : vector<224x224xi32>
    %iota3A_3 = tpu.iota {dimensions = array<i32: 1>} : vector<224x224xi32>
    %eq3A = arith.cmpi eq, %iota3A, %iota3A_3 : vector<224x224xi32>
    %convert_element_type3A = arith.extui %eq3A : vector<224x224xi1> to vector<224x224xi32>
    %convert_element_type3A_4 = arith.sitofp %convert_element_type3A : vector<224x224xi32> to vector<224x224xf32>
    %dot_general3A = arith.constant dense<0.000000e+00> : vector<224x1xf32>
    %dot_general3A_5 = tpu.matmul %convert_element_type3A_4, %broadcast_in_dim3A, %dot_general3A {dimension_numbers = #tpu.dot_dimension_numbers<[1], [1], [0], [0], [0, 0, 1, 0], [], []>, transpose_lhs_hint = false} : vector<224x224xf32>, vector<1x224xf32>, vector<224x1xf32> -> vector<224x1xf32>
    %iota3A_6 = tpu.iota {dimensions = array<i32: 1>} : vector<224x224xi32>
    %iota3A_7 = tpu.iota {dimensions = array<i32: 0>} : vector<224x224xi32>
    %lt3A = vector.broadcast %broadcast_in_dim3A : vector<1x224xf32> to vector<224x224xf32>
    %lt3A_8 = vector.broadcast %dot_general3A_5 : vector<224x1xf32> to vector<224x224xf32>
    %lt3A_9 = arith.cmpf olt, %lt3A, %lt3A_8 : vector<224x224xf32>
    %convert_element_type3A_10 = arith.extui %lt3A_9 : vector<224x224xi1> to vector<224x224xi32>
    %convert_element_type3A_11 = arith.sitofp %convert_element_type3A_10 : vector<224x224xi32> to vector<224x224xf32>
    %eq3A_12 = vector.broadcast %broadcast_in_dim3A : vector<1x224xf32> to vector<224x224xf32>
    %eq3A_13 = vector.broadcast %dot_general3A_5 : vector<224x1xf32> to vector<224x224xf32>
    %eq3A_14 = arith.cmpf oeq, %eq3A_12, %eq3A_13 : vector<224x224xf32>
    %lt3A_15 = arith.cmpi slt, %iota3A_6, %iota3A_7 : vector<224x224xi32>
    %and3A = arith.andi %eq3A_14, %lt3A_15 : vector<224x224xi1>
    %convert_element_type3A_16 = arith.extui %and3A : vector<224x224xi1> to vector<224x224xi32>
    %convert_element_type3A_17 = arith.sitofp %convert_element_type3A_16 : vector<224x224xi32> to vector<224x224xf32>
    %add3A = arith.addf %convert_element_type3A_11, %convert_element_type3A_17 : vector<224x224xf32>
    %reduce_sum3A_18 = arith.constant dense<0.000000e+00> : vector<224xf32>
    %reduce_sum3A_19 = vector.multi_reduction <add>, %add3A, %reduce_sum3A_18 [1] : vector<224x224xf32> to vector<224xf32>
    %broadcast_in_dim3A_20 = vector.shape_cast %reduce_sum3A_19 : vector<224xf32> to vector<224x1xf32>
    %sub3A = arith.constant 9.600000e+01 : f32
    %sub3A_21 = vector.broadcast %sub3A : f32 to vector<224x1xf32>
    %sub3A_22 = arith.subf %broadcast_in_dim3A_20, %sub3A_21 : vector<224x1xf32>
    %iota3A_23 = tpu.iota {dimensions = array<i32: 1>} : vector<224x128xi32>
    %convert_element_type3A_24 = arith.sitofp %iota3A_23 : vector<224x128xi32> to vector<224x128xf32>
    %eq3A_25 = vector.broadcast %sub3A_22 : vector<224x1xf32> to vector<224x128xf32>
    %eq3A_26 = arith.cmpf oeq, %eq3A_25, %convert_element_type3A_24 : vector<224x128xf32>
    %convert_element_type3A_27 = arith.extui %eq3A_26 : vector<224x128xi1> to vector<224x128xi32>
    %convert_element_type3A_28 = arith.sitofp %convert_element_type3A_27 : vector<224x128xi32> to vector<224x128xf32>
    %iota3A_29 = tpu.iota {dimensions = array<i32: 0>} : vector<224x128xi32>
    %convert_element_type3A_30 = arith.sitofp %iota3A_29 : vector<224x128xi32> to vector<224x128xf32>
    %mul3A = arith.mulf %convert_element_type3A_28, %convert_element_type3A_30 : vector<224x128xf32>
    %reduce_sum3A_31 = arith.constant dense<0.000000e+00> : vector<128xf32>
    %reduce_sum3A_32 = vector.multi_reduction <add>, %mul3A, %reduce_sum3A_31 [0] : vector<224x128xf32> to vector<128xf32>
    %broadcast_in_dim3A_33 = vector.shape_cast %reduce_sum3A_32 : vector<128xf32> to vector<1x128xf32>
    %convert_element_type3A_34 = arith.fptosi %broadcast_in_dim3A_33 : vector<1x128xf32> to vector<1x128xi32>
    %swap3A = arith.constant 0 : index
    %swap3A_35 = arith.constant 0 : index
    %swap3A_36 = vector.load %arg1[%swap3A, %swap3A_35] : memref<1x128xi32, #tpu.memory_space<vmem>>, vector<1x128xi32>
    tpu.vector_store %arg1[%swap3A, %swap3A_35], %convert_element_type3A_34 {strides = array<i32>} : memref<1x128xi32, #tpu.memory_space<vmem>>, vector<1x128xi32>,
    return
  }
}

</mosaic_0001>

<sc_bundles>
// kernel: kernel.4.cloned.1.call-start
scs
__scs_entry_jumppad:
0x0: {  	(pc) =	sbr.rel $0x88, $3  }
0x1: {  	(tag) =	ssettag $0x0;
	lr =	simm.s32 $0x1  }
0x2: {  	[smem:$0x3F9F] =	sst lr;
	_ =	strace $0xD0000000  }
0x3: {  	_ = 	snop  }
0x4: {  	_ = 	snop  }
0x5: {  	_ = 	snop  }
0x6: {  	_ = 	snop  }
0x7: {  	_ = 	snop  }
__scs_overlays_trampoline_lowered:
0x8: {  	[smem:$0x3FAE] =	sst s0  }
0x9: {  	[smem:$0x3FAF] =	sst s1  }
0xa: {  	[smem:$0x3FB0] =	sst s2  }
0xb: {  	[smem:$0x3FB1] =	sst s3  }
0xc: {  	[smem:$0x3FB2] =	sst s4  }
0xd: {  	[smem:$0x3FB3] =	sst s5  }
0xe: {  	[smem:$0x3FB4] =	sst s6  }
0xf: {  	[smem:$0x3FB5] =	sst s7  }
0x10: {  	[smem:$0x3FB6] =	sst s8  }
0x11: {  	[smem:$0x3FB7] =	sst s9;
	s0 =	simm.s32 @!p0 $0x0  }
0x12: {  	s1 =	sld [smem:$0x3F9D];
	s0 =	simm.s32 @p0 $0x1  }
0x13: {  	[smem:$0x3FB8] =	sst s0;
	s0 =	simm.s32 @!p1 $0x0  }
0x14: {  	s2 =	sld [smem:$0x3F9C];
	s0 =	simm.s32 @p1 $0x1  }
0x15: {  	[smem:$0x3FB9] =	sst s0;
	s0 =	simm.s32 @!p2 $0x0  }
0x16: {  	s3 =	sld [smem:$0x3FDB];
	s0 =	simm.s32 @p2 $0x1  }
0x17: {  	s4 =	simm.s32 $0x1BF5;
	[smem:$0x3FBB] =	sst s0  }
0x18: {  	s0 =	sld [smem:$0x3F9E];
	_ =	swait.ge [sflag:s4], $0x0  }
0x19: {  	s7 =	sld [smem:$0x3F9F]  }
0x1a: {  	s8 =	sadd.s32 $0xFFFFE003, lr  }
0x1b: {  	s9 =	sadd.s32 $0xFFFFFEF7, lr;
	s5 =	simm.s32 $0xFFFFFFFF;
	p2 =	slt.u32 s8, $0xFFFFF086  }
0x1c: {  	p1 =	slt.u32 s9, $0xF7A;
	s5 =	simm.s32 @!p2 $0x0  }
0x1d: {  	s5 =	simm.s32 @p1 $0x1;
	p0 =	seq.s32 s7, s2  }
0x1e: {  	s7 =	smul.u32 @!p0 $0xF7A, s2;
	p2 =	seq.s32 @!p0 s5, $0x0  }
0x1f: {  	s9 =	smul.u32 $0xF7A, s1;
	s8 =	simm.s32 @!p0 $0x1BF5;
	p2 =	por !p2, p0  }
0x20: {  	[sflag:s8] =	ssyncset.s32 @!p0 $0xFFFFF086;
	s6 =	sadd.s32 @!p0 s3, s7;
	s7 =	simm.s32 @!p0 $0x108  }
0x21: {  	s3 =	sadd.s32 s3, s9;
	s6 =	sadd.s32 @!p0 $0x88, s6;
	s7 =	simm.s32 @p2 $0x1082  }
0x22: {  	[simem:s7], [sflag:s8] =	dma.local @!p0 [hbm:s6], $0xF7A  }
0x23: {  	s9 =	sor.u32 $0xD0000000, s2;
	s6 =	simm.s32 $0x108;
	_ =	swait.ge @!p0 [sflag:s8], $0x0  }
0x24: {  	s3 =	sadd.s32 $0x88, s3;
	s6 =	simm.s32 @!p1 $0x1082;
	[sflag:s4] =	ssyncset.s32 $0xFFFFF086  }
0x25: {  	[simem:s6], [sflag:s4] =	dma.local [hbm:s3], $0xF7A  }
0x26: {  	[smem:$0x3F9F] =	sst s1;
	(tag) =	ssettag s2;
	_ =	strace s9  }
0x27: {  	s1 =	sld [smem:$0x3FAF]  }
0x28: {  	s2 =	sld [smem:$0x3FB0]  }
0x29: {  	s4 =	sld [smem:$0x3FB2]  }
0x2a: {  	p0 =	seq.s32 s5, $0x0;
	s5 =	sld [smem:$0x3FB3]  }
0x2b: {  	s6 =	sld [smem:$0x3FB4]  }
0x2c: {  	s7 =	sld [smem:$0x3FB5]  }
0x2d: {  	s3 =	simm.s32 $0x108;
	s8 =	sld [smem:$0x3FB6]  }
0x2e: {  	s3 =	simm.s32 @!p0 $0x1082;
	s9 =	sld [smem:$0x3FB7]  }
0x2f: {  	lr =	sadd.s32 s0, s3;
	s0 =	sld [smem:$0x3FAE]  }
0x30: {  	s3 =	sld [smem:$0x3FB1]  }
0x31: {  	[smem:$0x3FBA] =	sst s10  }
0x32: {  	s10 =	sld [smem:$0x3FB8];
	_ =	sdelay $0x3  }
0x33: {  	p0 =	seq.s32 s10, $0x1;
	s10 =	sld [smem:$0x3FBA];
	_ =	sdelay $0x3  }
0x34: {  	[smem:$0x3FBA] =	sst s10  }
0x35: {  	s10 =	sld [smem:$0x3FB9];
	_ =	sdelay $0x3  }
0x36: {  	p1 =	seq.s32 s10, $0x1;
	s10 =	sld [smem:$0x3FBA];
	_ =	sdelay $0x3  }
0x37: {  	[smem:$0x3FBA] =	sst s10  }
0x38: {  	s10 =	sld [smem:$0x3FBB]  }
0x39: {  	_ = 	snop;
	(pc) =	sbr.ind lr, $3  }
0x3a: {  	_ = 	snop  }
0x3b: {  	_ = 	snop  }
0x3c: {  	p2 =	seq.s32 s10, $0x1;
	s10 =	sld [smem:$0x3FBA]  }
0x3d: {  	_ =	shalt  }
0x3e: {  	_ =	shalt  }
0x3f: {  	_ =	shalt  }
0x40: {  	_ =	shalt  }
0x41: {  	_ =	shalt  }
0x42: {  	_ =	shalt  }
0x43: {  	_ =	shalt  }
0x44: {  	_ =	shalt  }
0x45: {  	_ =	shalt  }
0x46: {  	_ =	shalt  }
0x47: {  	_ =	shalt  }
0x48: {  	_ =	shalt  }
0x49: {  	_ =	shalt  }
0x4a: {  	_ =	shalt  }
0x4b: {  	_ =	shalt  }
0x4c: {  	_ =	shalt  }
0x4d: {  	_ =	shalt  }
0x4e: {  	_ =	shalt  }
0x4f: {  	_ =	shalt  }
0x50: {  	_ =	shalt  }
0x51: {  	_ =	shalt  }
0x52: {  	_ =	shalt  }
0x53: {  	_ =	shalt  }
0x54: {  	_ =	shalt  }
0x55: {  	_ =	shalt  }
0x56: {  	_ =	shalt  }
0x57: {  	_ =	shalt  }
0x58: {  	_ =	shalt  }
0x59: {  	_ =	shalt  }
0x5a: {  	_ =	shalt  }
0x5b: {  	_ =	shalt  }
0x5c: {  	_ =	shalt  }
0x5d: {  	_ =	shalt  }
0x5e: {  	_ =	shalt  }
0x5f: {  	_ =	shalt  }
0x60: {  	_ =	shalt  }
0x61: {  	_ =	shalt  }
0x62: {  	_ =	shalt  }
0x63: {  	_ =	shalt  }
0x64: {  	_ =	shalt  }
0x65: {  	_ =	shalt  }
0x66: {  	_ =	shalt  }
0x67: {  	_ =	shalt  }
0x68: {  	_ =	shalt  }
0x69: {  	_ =	shalt  }
0x6a: {  	_ =	shalt  }
0x6b: {  	_ =	shalt  }
0x6c: {  	_ =	shalt  }
0x6d: {  	_ =	shalt  }
0x6e: {  	_ =	shalt  }
0x6f: {  	_ =	shalt  }
0x70: {  	_ =	shalt  }
0x71: {  	_ =	shalt  }
0x72: {  	_ =	shalt  }
0x73: {  	_ =	shalt  }
0x74: {  	_ =	shalt  }
0x75: {  	_ =	shalt  }
0x76: {  	_ =	shalt  }
0x77: {  	_ =	shalt  }
0x78: {  	_ =	shalt  }
0x79: {  	_ =	shalt  }
0x7a: {  	_ =	shalt  }
0x7b: {  	_ =	shalt  }
0x7c: {  	_ =	shalt  }
0x7d: {  	_ =	shalt  }
0x7e: {  	_ =	shalt  }
0x7f: {  	_ =	shalt  }
0x80: {  	_ =	shalt  }
0x81: {  	_ =	shalt  }
0x82: {  	_ =	shalt  }
0x83: {  	_ =	shalt  }
0x84: {  	_ =	shalt  }
0x85: {  	_ =	shalt  }
0x86: {  	_ =	shalt  }
0x87: {  	_ =	shalt  }
.Lfunc_end0:
.L_simem_size_0:
called_computation_lowered:
.L_overlay_start_0:
0x88: {  	s2 =	sld [smem:$0x3FD9]  }
0x89: {  	s3 =	sld [smem:$0x3FFE];
	_ =	sdelay $0x1  }
0x8a: {  	s1 =	srdreg.scid  }
0x8b: {  	s0 =	sand.u32 $0x1, s1  }
0x8c: {  	s17 =	sshll.u32 s0, $0xA;
	s2 =	sadd.s32 s3, s2  }
0x8d: {  	s2 =	sadd.s32 s2, s17  }
0x8e: {  	[smem:$0x3FC6] =	sst s2  }
0x8f: {  	_ = 	snop  }
0x90: {  	s2 =	sld [smem:$0x3FC9]  }
0x91: {  	s18 =	sld [smem:$0x3FD0];
	(tm) =	ssettm $0x1  }
0x92: {  	s4 =	sld [smem:$0x3FFB];
	_ =	sdelay $0x3  }
0x93: {  	_ =	strace s4  }
0x94: {  	s4 =	sld [smem:$0x3FFC];
	_ =	sdelay $0x3  }
0x95: {  	_ =	strace s4  }
0x96: {  	s4 =	sld [smem:$0x3FFD];
	_ =	sdelay $0x3  }
0x97: {  	_ =	strace s4  }
0x98: {  	_ =	strace $0x8FFFFFFF  }
0x99: {  	s19 =	sld [smem:$0x3FDB];
	_ =	sdelay $0x1  }
0x9a: {  	s5 =	simm.s32 $_scs_section_size  }
0x9b: {  	s6 =	simm.s32 $_size__tile_overlayer_lowered;
	s7 =	simm.s32 $_tile_overlayer_lowered  }
0x9c: {  	s22 =	simm.s32 $0x1BFF;
	s21 =	sshll.u32 s7, $0x1;
	s4 =	sadd.s32 s5, s19  }
0x9d: {  	s8 =	simm.s32 $0x0;
	s20 =	sshll.u32 s6, $0x1;
	s6 =	sadd.s32 s21, s4  }
0x9e: {  	[timem:s8], [sflag:s22] =	dma.local [hbm:s6], s20  }
0x9f: {  	_ =	swait.ge [sflag:s22], s20  }
0xa0: {  	s5 =	ssub.s32 $0x0, s20;
	[sflag:s22] =	ssyncset.done $0x0  }
0xa1: {  	[sflag:s22] =	ssyncadd.s32 s5;
	_ =	sdelay $0x1  }
0xa2: {  	s23 =	simm.s32 $0x1B8B  }
0xa3: {  	_ =	swait.ge [sflag:s23], $0x1  }
0xa4: {  	[sflag:s23] =	ssyncset.done $0x0  }
0xa5: {  	s25 =	simm.s32 $0x1B8E;
	s24 =	sld [smem:$0x3FFE];
	[sflag:s23] =	ssyncadd.s32 $0xFFFFFFFF  }
0xa6: {  	s26 =	simm.s32 $execute0_lowered;
	[smem:$0x3FD2] =	sst s25  }
0xa7: {  	s6 =	sshll.u32 s26, $0x1;
	_ =	strace $0x80000046;
	[dreg:$0x1] =	wrdreg $0xFFFFFFFF  }
0xa8: {  	s28 =	simm.s32 $_size_execute0_lowered;
	s4 =	sadd.s32 s4, s6;
	[dreg:$0x0] =	wrdreg $0x0  }
0xa9: {  	s6 =	sshll.u32 s28, $0x1;
	[dreg:$0x2] =	wrdreg s4  }
0xaa: {  	[dreg:$0x3] =	wrdreg s6  }
0xab: {  	[dreg:$0x4] =	wrdreg $0xC0  }
0xac: {  	_ =	task [dreg:s8], $0x5FFFF  }
0xad: {  	[dreg:$0x1] =	wrdreg $0xFFFFFFFF  }
0xae: {  	[dreg:$0x0] =	wrdreg $0x60  }
0xaf: {  	[dreg:$0x2] =	wrdreg s2  }
0xb0: {  	[dreg:$0x3] =	wrdreg s24  }
0xb1: {  	[dreg:$0x4] =	wrdreg s18  }
0xb2: {  	[dreg:$0x5] =	wrdreg $0x150800  }
0xb3: {  	[dreg:$0x6] =	wrdreg $0x9  }
0xb4: {  	_ =	task.clear_ibuf [dreg:s8], $0x7FFFF;
	_ =	strace $0x90000046  }
0xb5: {  	s29 =	simm.s32 $0x9;
	_ =	strace $0x80000048  }
0xb6: {  	_ =	swait.ge [sflag:s29], $0x1  }
0xb7: {  	[sflag:s29] =	ssyncadd.s32 $0xFFFFFFFF  }
0xb8: {  	_ =	strace $0x90000048  }
0xb9: {  	_ =	sfence  }
0xba: {  	s30 =	sld [smem:$0x0];
	_ =	sdelay $0x2  }
0xbb: {  	s31 =	sshll.u32 s1, $0xD;
	s1 =	sshrl.u32 s1, $0x2  }
0xbc: {  	s3 =	sand.u32 $0x4000, s31;
	s1 =	sadd.s32 s1, s30  }
0xbd: {  	s0 =	sor.u32 s3, s0;
	s1 =	sshll.u32 s1, $0x11  }
0xbe: {  	s0 =	sor.u32 s1, s0  }
0xbf: {  	s0 =	sadd.s32 $0x8F2B, s0  }
0xc0: {  	[sflag:s0] =	ssyncadd.remote.s32 $0x1  }
0xc1: {  	_ =	sfence.sel $0xFFFF  }
0xc2: {  	[dreg:$0x0] =	wrdreg $0xFFFFFFFF;
	(pc) =	sbr.abs _section_cstart, $3  }
0xc3: {  	[dreg:$0x1] =	wrdreg $0xFFFFFFFF  }
0xc4: {  	_ =	task.clear_ibuf [dreg:s8], $0x2FFFF;
	_ =	strace $0x9FFFFFFF  }
0xc5: {  	(tm) =	ssettm $0x7FFFFFFF  }
tec
execute0_lowered:
.L_overlay_start_1:
0x0: {  	(tag) =	ssettag $0x1  }
0x1: {  	s1 =	rddreg [dreg:$0x0]  }
0x2: {  	s0 =	rddreg [dreg:$0x1]  }
0x3: {  	s3 =	rddreg [dreg:$0x2]  }
0x4: {  	s5 =	rddreg [dreg:$0x3];
	s6 =	srdreg.scid  }
0x5: {  	s2 =	stileid.u32;
	s4 =	simm.s32 $0x0;
	s19 =	simm.s32 $0x80  }
0x6: {  	s24 =	simm.s32 $0x7080;
	s22 =	simm.s32 $0x1;
	s18 =	simm.s32 $0x3  }
0x7: {  	s21 =	simm.s32 $0x2;
	s23 =	simm.s32 $0x11880;
	s6 =	sand.u32 $0x1, s6  }
0x8: {  	s7 =	sshll.u32 s2, $0x1;
	[smem:$0x7FF] =	sst s4;
	s0 =	sadd.s32 $0x600, s0  }
0x9: {  	s10 =	smul.u32 $0x1C000, s2;
	s7 =	sor.u32 s6, s7;
	s6 =	ssub.s32 $0x2, s6  }
0xa: {  	_ =	strace $0x80000047;
	[dreg:$0x5] =	wrdreg s0;
	s25 =	sshrl.u32 s6, $0x1  }
0xb: {  	s8 =	smul.u32 $0x54000, s7;
	s26 =	sshrl.u32 s10, $0x2;
	s0 =	ssub.s32 s6, s25  }
0xc: {  	s6 =	smul.u32 $0x2A00, s7;
	s7 =	sadd.s32 $0x80, s1;
	s12 =	sadd.s32 s26, s5  }
0xd: {  	s26 =	simm.s32 $0xE080;
	s9 =	sadd.s32 s1, s8;
	s8 =	sadd.s32 s8, s7  }
0xe: {  	s25 =	simm.s32 $0x4;
	s0 =	smax.u32 s0, $0x1;
	[dreg:$0x7] =	wrdreg s8  }
0xf: {  	s14 =	sadd.s32 $0x3800, s12;
	s10 =	sadd.s32 $0xE00, s9;
	[dreg:$0x8] =	wrdreg s0  }
.Ltmp0:
0x10: {  	s28 =	sadd.s32 $0x100, s9;
	[dreg:$0x6] =	wrdreg s9;
	(pc) =	sbr.rel .LBB2_1-.Ltmp0, $4  }
0x11: {  	s11 =	sadd.s32 $0xE80, s9;
	s29 =	sadd.s32 $0x200, s9;
	[dreg:$0x9] =	wrdreg s28  }
0x12: {  	s13 =	sor.u32 $0xE0, s6;
	s30 =	sadd.s32 $0x300, s9;
	[dreg:$0xa] =	wrdreg s29  }
0x13: {  	s15 =	sor.u32 $0x150, s6;
	s31 =	sadd.s32 $0x400, s9;
	[dreg:$0xb] =	wrdreg s30  }
0x14: {  	s16 =	sor.u32 $0x70, s6;
	s8 =	simm.s32 $0x0;
	[dreg:$0xc] =	wrdreg s31  }
.LBB2_11:
0x15: {  	s0 =	simm.s32 $0x5  }
0x16: {  	_ =	swait.ge [sflag:s0], $0x700  }
0x17: {  	[sflag:s0] =	ssyncset.done $0x0  }
0x18: {  	s5 =	simm.s32 $0x6;
	[sflag:s0] =	ssyncadd.s32 $0xFFFFF900  }
0x19: {  	_ =	swait.ge [sflag:s5], $0x700  }
0x1a: {  	s8 =	rddreg [dreg:$0xd]  }
0x1b: {  	s31 =	rddreg [dreg:$0x8];
	s8 =	sadd.s32 $0x1, s8  }
0x1c: {  	p0 =	sne.s32 s8, s31  }
.Ltmp1:
0x1d: {  	_ = 	snop;
	(pc) =	sbr.rel @!p0 .LBB2_12-.Ltmp1, $3  }
0x1e: {  	_ =	sdelay $0x1  }
0x1f: {  	[sflag:s5] =	ssyncset.done $0x0  }
0x20: {  	[sflag:s5] =	ssyncadd.s32 $0xFFFFF900  }
.LBB2_1:
0x21: {  	[dreg:$0xd] =	wrdreg s8  }
0x22: {  	s0 =	rddreg [dreg:$0x5];
	s29 =	simm.s32 $0x7  }
0x23: {  	[tilespmem:s4], [sflag:$0x7] =	stream.linear.gather [hbm4b:s0+s4], $0x80, $0x38;
	[tilespmem:$0x1C080] =	vst v63  }
0x24: {  	_ =	swait.ge [sflag:s29], $0x80  }
0x25: {  	[sflag:s29] =	ssyncset.done $0x0  }
0x26: {  	s5 =	rddreg [dreg:$0x6];
	[sflag:s29] =	ssyncadd.s32 $0xFFFFFF80  }
0x27: {  	[tilespmem:s19], [sflag:$0x1] =	stream.linear.gather [hbm4b:s5+s4], $0x400, $0x38;
	[tilespmem:$0x1C080] =	vst v63  }
0x28: {  	s31 =	simm.s32 $0x880;
	s30 =	rddreg [dreg:$0x9]  }
0x29: {  	[tilespmem:s31], [sflag:$0x1] =	stream.linear.gather [hbm4b:s30+s4], $0x400, $0x38;
	[tilespmem:$0x1C080] =	vst v63  }
0x2a: {  	s17 =	simm.s32 $0x1080;
	s9 =	rddreg [dreg:$0xa]  }
0x2b: {  	[tilespmem:s17], [sflag:$0x1] =	stream.linear.gather [hbm4b:s9+s4], $0x400, $0x38;
	[tilespmem:$0x1C080] =	vst v63  }
0x2c: {  	s20 =	rddreg [dreg:$0xb];
	s29 =	simm.s32 $0x1880  }
0x2d: {  	[tilespmem:s29], [sflag:$0x1] =	stream.linear.gather [hbm4b:s20+s4], $0x400, $0x38;
	[tilespmem:$0x1C080] =	vst v63  }
0x2e: {  	s30 =	rddreg [dreg:$0xc];
	s31 =	simm.s32 $0x2080  }
0x2f: {  	[tilespmem:s31], [sflag:$0x1] =	stream.linear.gather [hbm4b:s30+s4], $0x400, $0x38;
	[tilespmem:$0x1C080] =	vst v63  }
0x30: {  	s9 =	sadd.s32 $0x500, s5;
	s17 =	simm.s32 $0x2880  }
0x31: {  	[tilespmem:s17], [sflag:$0x1] =	stream.linear.gather [hbm4b:s9+s4], $0x400, $0x38;
	[tilespmem:$0x1C080] =	vst v63  }
0x32: {  	s20 =	sadd.s32 $0x600, s5;
	s29 =	simm.s32 $0x3080  }
0x33: {  	[tilespmem:s29], [sflag:$0x1] =	stream.linear.gather [hbm4b:s20+s4], $0x400, $0x38;
	[tilespmem:$0x1C080] =	vst v63  }
0x34: {  	s30 =	sadd.s32 $0x700, s5;
	s31 =	simm.s32 $0x3880  }
0x35: {  	[tilespmem:s31], [sflag:$0x1] =	stream.linear.gather [hbm4b:s30+s4], $0x400, $0x38;
	[tilespmem:$0x1C080] =	vst v63  }
0x36: {  	s9 =	sadd.s32 $0x800, s5;
	s17 =	simm.s32 $0x4080  }
0x37: {  	[tilespmem:s17], [sflag:$0x1] =	stream.linear.gather [hbm4b:s9+s4], $0x400, $0x38;
	[tilespmem:$0x1C080] =	vst v63  }
0x38: {  	s20 =	sadd.s32 $0x900, s5;
	s29 =	simm.s32 $0x4880  }
0x39: {  	[tilespmem:s29], [sflag:$0x1] =	stream.linear.gather [hbm4b:s20+s4], $0x400, $0x38;
	[tilespmem:$0x1C080] =	vst v63  }
0x3a: {  	s30 =	sadd.s32 $0xA00, s5;
	s31 =	simm.s32 $0x5080  }
0x3b: {  	[tilespmem:s31], [sflag:$0x1] =	stream.linear.gather [hbm4b:s30+s4], $0x400, $0x38;
	[tilespmem:$0x1C080] =	vst v63  }
0x3c: {  	s9 =	sadd.s32 $0xB00, s5;
	s17 =	simm.s32 $0x5880  }
0x3d: {  	[tilespmem:s17], [sflag:$0x1] =	stream.linear.gather [hbm4b:s9+s4], $0x400, $0x38;
	[tilespmem:$0x1C080] =	vst v63  }
0x3e: {  	s20 =	sadd.s32 $0xC00, s5;
	s29 =	simm.s32 $0x6080  }
0x3f: {  	[tilespmem:s29], [sflag:$0x1] =	stream.linear.gather [hbm4b:s20+s4], $0x400, $0x38;
	[tilespmem:$0x1C080] =	vst v63  }
0x40: {  	s30 =	sadd.s32 $0xD00, s5;
	s31 =	simm.s32 $0x6880  }
0x41: {  	[tilespmem:s31], [sflag:$0x1] =	stream.linear.gather [hbm4b:s30+s4], $0x400, $0x38;
	[tilespmem:$0x1C080] =	vst v63  }
0x42: {  	s8 =	simm.s32 $0x480;
	s5 =	rddreg [dreg:$0x7]  }
0x43: {  	[tilespmem:s8], [sflag:$0x1] =	stream.linear.gather [hbm4b:s5+s4], $0x400, $0x38;
	[tilespmem:$0x1C080] =	vst v63  }
0x44: {  	s9 =	sadd.s32 $0x100, s5;
	s17 =	simm.s32 $0xC80  }
0x45: {  	[tilespmem:s17], [sflag:$0x1] =	stream.linear.gather [hbm4b:s9+s4], $0x400, $0x38;
	[tilespmem:$0x1C080] =	vst v63  }
0x46: {  	s20 =	sadd.s32 $0x200, s5;
	s29 =	simm.s32 $0x1480  }
0x47: {  	[tilespmem:s29], [sflag:$0x1] =	stream.linear.gather [hbm4b:s20+s4], $0x400, $0x38;
	[tilespmem:$0x1C080] =	vst v63  }
0x48: {  	s30 =	sadd.s32 $0x300, s5;
	s31 =	simm.s32 $0x1C80  }
0x49: {  	[tilespmem:s31], [sflag:$0x1] =	stream.linear.gather [hbm4b:s30+s4], $0x400, $0x38;
	[tilespmem:$0x1C080] =	vst v63  }
0x4a: {  	s9 =	sadd.s32 $0x400, s5;
	s17 =	simm.s32 $0x2480  }
0x4b: {  	[tilespmem:s17], [sflag:$0x1] =	stream.linear.gather [hbm4b:s9+s4], $0x400, $0x38;
	[tilespmem:$0x1C080] =	vst v63  }
0x4c: {  	s20 =	sadd.s32 $0x500, s5;
	s29 =	simm.s32 $0x2C80  }
0x4d: {  	[tilespmem:s29], [sflag:$0x1] =	stream.linear.gather [hbm4b:s20+s4], $0x400, $0x38;
	[tilespmem:$0x1C080] =	vst v63  }
0x4e: {  	s30 =	sadd.s32 $0x600, s5;
	s31 =	simm.s32 $0x3480  }
0x4f: {  	[tilespmem:s31], [sflag:$0x1] =	stream.linear.gather [hbm4b:s30+s4], $0x400, $0x38;
	[tilespmem:$0x1C080] =	vst v63  }
0x50: {  	s9 =	sadd.s32 $0x700, s5;
	s17 =	simm.s32 $0x3C80  }
0x51: {  	[tilespmem:s17], [sflag:$0x1] =	stream.linear.gather [hbm4b:s9+s4], $0x400, $0x38;
	[tilespmem:$0x1C080] =	vst v63  }
0x52: {  	s20 =	sadd.s32 $0x800, s5;
	s29 =	simm.s32 $0x4480  }
0x53: {  	[tilespmem:s29], [sflag:$0x1] =	stream.linear.gather [hbm4b:s20+s4], $0x400, $0x38;
	[tilespmem:$0x1C080] =	vst v63  }
0x54: {  	s30 =	sadd.s32 $0x900, s5;
	s31 =	simm.s32 $0x4C80  }
0x55: {  	[tilespmem:s31], [sflag:$0x1] =	stream.linear.gather [hbm4b:s30+s4], $0x400, $0x38;
	[tilespmem:$0x1C080] =	vst v63  }
0x56: {  	s9 =	sadd.s32 $0xA00, s5;
	s17 =	simm.s32 $0x5480  }
0x57: {  	[tilespmem:s17], [sflag:$0x1] =	stream.linear.gather [hbm4b:s9+s4], $0x400, $0x38;
	[tilespmem:$0x1C080] =	vst v63  }
0x58: {  	s20 =	sadd.s32 $0xB00, s5;
	s29 =	simm.s32 $0x5C80  }
0x59: {  	[tilespmem:s29], [sflag:$0x1] =	stream.linear.gather [hbm4b:s20+s4], $0x400, $0x38;
	[tilespmem:$0x1C080] =	vst v63  }
0x5a: {  	s30 =	sadd.s32 $0xC00, s5;
	s31 =	simm.s32 $0x6480  }
0x5b: {  	[tilespmem:s31], [sflag:$0x1] =	stream.linear.gather [hbm4b:s30+s4], $0x400, $0x38;
	[tilespmem:$0x1C080] =	vst v63  }
0x5c: {  	s8 =	simm.s32 $0x6C80;
	s5 =	sadd.s32 $0xD00, s5  }
0x5d: {  	[tilespmem:s8], [sflag:$0x1] =	stream.linear.gather [hbm4b:s5+s4], $0x400, $0x38;
	[tilespmem:$0x1C080] =	vst v63  }
0x5e: {  	_ = 	snop  }
0x5f: {  	[tilespmem:s24], [sflag:$0x2] =	stream.linear.gather [hbm4b:s10+s4], $0x400, $0x38;
	[tilespmem:$0x1C080] =	vst v63  }
0x60: {  	s9 =	sadd.s32 $0x100, s10;
	s17 =	simm.s32 $0x7880  }
0x61: {  	[tilespmem:s17], [sflag:$0x2] =	stream.linear.gather [hbm4b:s9+s4], $0x400, $0x38;
	[tilespmem:$0x1C080] =	vst v63  }
0x62: {  	s20 =	sadd.s32 $0x200, s10;
	s29 =	simm.s32 $0x8080  }
0x63: {  	[tilespmem:s29], [sflag:$0x2] =	stream.linear.gather [hbm4b:s20+s4], $0x400, $0x38;
	[tilespmem:$0x1C080] =	vst v63  }
0x64: {  	s30 =	sadd.s32 $0x300, s10;
	s31 =	simm.s32 $0x8880  }
0x65: {  	[tilespmem:s31], [sflag:$0x2] =	stream.linear.gather [hbm4b:s30+s4], $0x400, $0x38;
	[tilespmem:$0x1C080] =	vst v63  }
0x66: {  	s5 =	sadd.s32 $0x400, s10;
	s8 =	simm.s32 $0x9080  }
0x67: {  	[tilespmem:s8], [sflag:$0x2] =	stream.linear.gather [hbm4b:s5+s4], $0x400, $0x38;
	[tilespmem:$0x1C080] =	vst v63  }
0x68: {  	s9 =	sadd.s32 $0x500, s10;
	s17 =	simm.s32 $0x9880  }
0x69: {  	[tilespmem:s17], [sflag:$0x2] =	stream.linear.gather [hbm4b:s9+s4], $0x400, $0x38;
	[tilespmem:$0x1C080] =	vst v63  }
0x6a: {  	s20 =	sadd.s32 $0x600, s10;
	s29 =	simm.s32 $0xA080  }
0x6b: {  	[tilespmem:s29], [sflag:$0x2] =	stream.linear.gather [hbm4b:s20+s4], $0x400, $0x38;
	[tilespmem:$0x1C080] =	vst v63  }
0x6c: {  	s30 =	sadd.s32 $0x700, s10;
	s31 =	simm.s32 $0xA880  }
0x6d: {  	[tilespmem:s31], [sflag:$0x2] =	stream.linear.gather [hbm4b:s30+s4], $0x400, $0x38;
	[tilespmem:$0x1C080] =	vst v63  }
0x6e: {  	s5 =	sadd.s32 $0x800, s10;
	s8 =	simm.s32 $0xB080  }
0x6f: {  	[tilespmem:s8], [sflag:$0x2] =	stream.linear.gather [hbm4b:s5+s4], $0x400, $0x38;
	[tilespmem:$0x1C080] =	vst v63  }
0x70: {  	s9 =	sadd.s32 $0x900, s10;
	s17 =	simm.s32 $0xB880  }
0x71: {  	[tilespmem:s17], [sflag:$0x2] =	stream.linear.gather [hbm4b:s9+s4], $0x400, $0x38;
	[tilespmem:$0x1C080] =	vst v63  }
0x72: {  	s20 =	sadd.s32 $0xA00, s10;
	s29 =	simm.s32 $0xC080  }
0x73: {  	[tilespmem:s29], [sflag:$0x2] =	stream.linear.gather [hbm4b:s20+s4], $0x400, $0x38;
	[tilespmem:$0x1C080] =	vst v63  }
0x74: {  	s30 =	sadd.s32 $0xB00, s10;
	s31 =	simm.s32 $0xC880  }
0x75: {  	[tilespmem:s31], [sflag:$0x2] =	stream.linear.gather [hbm4b:s30+s4], $0x400, $0x38;
	[tilespmem:$0x1C080] =	vst v63  }
0x76: {  	s8 =	sadd.s32 $0xC00, s10;
	s9 =	simm.s32 $0xD080  }
0x77: {  	[tilespmem:s9], [sflag:$0x2] =	stream.linear.gather [hbm4b:s8+s4], $0x400, $0x38;
	[tilespmem:$0x1C080] =	vst v63  }
0x78: {  	s17 =	sadd.s32 $0xD00, s10;
	s20 =	simm.s32 $0xD880  }
0x79: {  	[tilespmem:s20], [sflag:$0x2] =	stream.linear.gather [hbm4b:s17+s4], $0x400, $0x38;
	[tilespmem:$0x1C080] =	vst v63  }
0x7a: {  	s29 =	simm.s32 $0x7480  }
0x7b: {  	[tilespmem:s29], [sflag:$0x2] =	stream.linear.gather [hbm4b:s11+s4], $0x400, $0x38;
	[tilespmem:$0x1C080] =	vst v63  }
0x7c: {  	s30 =	sadd.s32 $0x100, s11;
	s31 =	simm.s32 $0x7C80  }
0x7d: {  	[tilespmem:s31], [sflag:$0x2] =	stream.linear.gather [hbm4b:s30+s4], $0x400, $0x38;
	[tilespmem:$0x1C080] =	vst v63  }
0x7e: {  	s5 =	sadd.s32 $0x200, s11;
	s8 =	simm.s32 $0x8480  }
0x7f: {  	[tilespmem:s8], [sflag:$0x2] =	stream.linear.gather [hbm4b:s5+s4], $0x400, $0x38;
	[tilespmem:$0x1C080] =	vst v63  }
0x80: {  	s9 =	sadd.s32 $0x300, s11;
	s17 =	simm.s32 $0x8C80  }
0x81: {  	[tilespmem:s17], [sflag:$0x2] =	stream.linear.gather [hbm4b:s9+s4], $0x400, $0x38;
	[tilespmem:$0x1C080] =	vst v63  }
0x82: {  	s20 =	sadd.s32 $0x400, s11;
	s29 =	simm.s32 $0x9480  }
0x83: {  	[tilespmem:s29], [sflag:$0x2] =	stream.linear.gather [hbm4b:s20+s4], $0x400, $0x38;
	[tilespmem:$0x1C080] =	vst v63  }
0x84: {  	s30 =	sadd.s32 $0x500, s11;
	s31 =	simm.s32 $0x9C80  }
0x85: {  	[tilespmem:s31], [sflag:$0x2] =	stream.linear.gather [hbm4b:s30+s4], $0x400, $0x38;
	[tilespmem:$0x1C080] =	vst v63  }
0x86: {  	s5 =	sadd.s32 $0x600, s11;
	s8 =	simm.s32 $0xA480  }
0x87: {  	[tilespmem:s8], [sflag:$0x2] =	stream.linear.gather [hbm4b:s5+s4], $0x400, $0x38;
	[tilespmem:$0x1C080] =	vst v63  }
0x88: {  	s9 =	sadd.s32 $0x700, s11;
	s17 =	simm.s32 $0xAC80  }
0x89: {  	[tilespmem:s17], [sflag:$0x2] =	stream.linear.gather [hbm4b:s9+s4], $0x400, $0x38;
	[tilespmem:$0x1C080] =	vst v63  }
0x8a: {  	s20 =	sadd.s32 $0x800, s11;
	s29 =	simm.s32 $0xB480  }
0x8b: {  	[tilespmem:s29], [sflag:$0x2] =	stream.linear.gather [hbm4b:s20+s4], $0x400, $0x38;
	[tilespmem:$0x1C080] =	vst v63  }
0x8c: {  	s30 =	sadd.s32 $0x900, s11;
	s31 =	simm.s32 $0xBC80  }
0x8d: {  	[tilespmem:s31], [sflag:$0x2] =	stream.linear.gather [hbm4b:s30+s4], $0x400, $0x38;
	[tilespmem:$0x1C080] =	vst v63  }
0x8e: {  	s5 =	sadd.s32 $0xA00, s11;
	s8 =	simm.s32 $0xC480  }
0x8f: {  	[tilespmem:s8], [sflag:$0x2] =	stream.linear.gather [hbm4b:s5+s4], $0x400, $0x38;
	[tilespmem:$0x1C080] =	vst v63  }
0x90: {  	s9 =	sadd.s32 $0xB00, s11;
	s17 =	simm.s32 $0xCC80  }
0x91: {  	[tilespmem:s17], [sflag:$0x2] =	stream.linear.gather [hbm4b:s9+s4], $0x400, $0x38;
	[tilespmem:$0x1C080] =	vst v63  }
.Ltmp2:
0x92: {  	_ = 	snop;
	(pc) =	sbr.rel .LBB2_2-.Ltmp2, $4  }
0x93: {  	s20 =	sadd.s32 $0xC00, s11;
	s29 =	simm.s32 $0xD480  }
0x94: {  	[tilespmem:s29], [sflag:$0x2] =	stream.linear.gather [hbm4b:s20+s4], $0x400, $0x38;
	[tilespmem:$0x1C080] =	vst v63  }
0x95: {  	s28 =	simm.s32 $0x0;
	s30 =	sadd.s32 $0xD00, s11;
	s31 =	simm.s32 $0xDC80  }
0x96: {  	[tilespmem:s31], [sflag:$0x2] =	stream.linear.gather [hbm4b:s30+s4], $0x400, $0x38;
	[tilespmem:$0x1C080] =	vst v63  }
.LBB2_10:
0x97: {  	s28 =	sadd.s32 $0x1, s28  }
0x98: {  	p0 =	sne.s32 s28, $0x30  }
.Ltmp3:
0x99: {  	_ = 	snop;
	(pc) =	sbr.rel @!p0 .LBB2_11-.Ltmp3, $4  }
0x9a: {  	_ =	swait.ge [sflag:s25], $0x3800;
	s0 =	sadd.s32 s29, s16  }
0x9b: {  	s5 =	sor.u32 $0x1C06, s30;
	[sflag:s25] =	ssyncset.done $0x0;
	s0 =	sshll.u32 s0, $0x4  }
0x9c: {  	s8 =	sshrl.u32 s14, $0x3;
	[sflag:s25] =	ssyncadd.s32 $0xFFFFC800;
	s0 =	sadd.s32 s3, s0  }
0x9d: {  	[hbm:s0], [sflag:s5] =	dma.local [spmem:s8], $0x700  }
.LBB2_2:
0x9e: {  	_ =	swait.ge [sflag:s22], $0x3800  }
0x9f: {  	[sflag:s22] =	ssyncset.done $0x0  }
0xa0: {  	[sflag:s22] =	ssyncadd.s32 $0xFFFFC800  }
0xa1: {  	_ =	swait.ge [sflag:s22], $0x3800  }
0xa2: {  	p0 =	seq.s32 s28, $0x0;
	[sflag:s22] =	ssyncset.done $0x0  }
0xa3: {  	s0 =	simm.s32 @!p0 $0x5;
	[sflag:s22] =	ssyncadd.s32 $0xFFFFC800  }
0xa4: {  	_ =	swait.ge @!p0 [sflag:s0], $0x700  }
0xa5: {  	[sflag:s0] =	ssyncset.done @!p0 $0x0  }
0xa6: {  	[sflag:s0] =	ssyncadd.s32 @!p0 $0xFFFFF900  }
0xa7: {  	v0 =	vld [tilespmem:$0x0]  }
0xa8: {  	v1 =	vld [tilespmem:$0x10]  }
0xa9: {  	v2 =	vld [tilespmem:$0x20];
	_ =	sdelay $0x1  }
0xaa: {  	s8 =	simm.s32 $0x0;
	v4 =	vld [tilespmem:$0x30]  }
0xab: {  	v25 =	vmov s8;
	v3 =	vshll.u32 v0, $0x3  }
0xac: {  	s5 =	simm.s32 $0x1;
	v6 =	vld [tilespmem:$0x50];
	v7 =	vand.u32 $0x7F, v0;
	v8 =	vand.u32 $0x7F, v1;
	v1 =	vshll.u32 v1, $0x3  }
0xad: {  	v0 =	vld [tilespmem:$0x40];
	v9 =	vand.u32 $0x7F, v2;
	v11 =	vand.u32 $0xFFFFFC00, v3;
	v3 =	vmov s5  }
0xae: {  	v2 =	vshll.u32 v2, $0x3;
	v13 =	vand.u32 $0xFFFFFC00, v1;
	v1 =	vshll.u32 v3, $0x8  }
0xaf: {  	v16 =	vld [tilespmem:$0x60];
	v10 =	vand.u32 $0x7F, v4;
	v17 =	vand.u32 $0x7800, v1;
	v1 =	vshll.u32 v3, $0x7  }
0xb0: {  	v18 =	vld [tilespmem:$0x70];
	v15 =	vand.u32 $0xFFFFFC00, v2;
	v2 =	vadd.s32 v11, v17;
	v19 =	vand.u32 $0x380, v1  }
0xb1: {  	v1 =	vshll.u32 v4, $0x3;
	v4 =	vand.u32 $0x7F, v6;
	v2 =	vor.u32 v19, v2  }
0xb2: {  	v14 =	vand.u32 $0xFFFFFC00, v1;
	v1 =	vshll.u32 v0, $0x3;
	v5 =	vand.u32 $0x7F, v0  }
0xb3: {  	v0 =	vshll.u32 v6, $0x3;
	v20 =	vor.u32 v7, v2;
	v12 =	vand.u32 $0xFFFFFC00, v1  }
0xb4: {  	v6 =	vand.u32 $0xFFFFFC00, v0;
	v0 =	vshll.u32 v16, $0x3;
	v2 =	vand.u32 $0x7F, v16  }
0xb5: {  	v1 =	vshll.u32 v18, $0x3;
	v16 =	vadd.s32 v15, v17;
	v21 =	vadd.s32 v14, v17  }
0xb6: {  	v3 =	vand.u32 $0xFFFFFC00, v0;
	v0 =	vand.u32 $0x7F, v18;
	v18 =	vadd.s32 v13, v17  }
0xb7: {  	v1 =	vand.u32 $0xFFFFFC00, v1;
	v16 =	vor.u32 v19, v16;
	v21 =	vor.u32 v19, v21  }
0xb8: {  	v22 =	vadd.s32 v12, v17;
	v23 =	vadd.s32 v6, v17;
	v18 =	vor.u32 v19, v18;
	v20 =	vld.idx.msk [tilespmem:v20+s19+$0x0], $0xffff  }
0xb9: {  	v16 =	vor.u32 v9, v16;
	v22 =	vor.u32 v19, v22;
	v18 =	vor.u32 v8, v18  }
0xba: {  	v24 =	vadd.s32 v3, v17;
	v23 =	vor.u32 v19, v23;
	v17 =	vadd.s32 v1, v17  }
0xbb: {  	v24 =	vor.u32 v19, v24;
	v17 =	vor.u32 v19, v17;
	v19 =	vshll.u32 v25, $0x8  }
0xbc: {  	s29 =	simm.s32 $0xE100;
	v21 =	vor.u32 v10, v21;
	v23 =	vor.u32 v4, v23;
	v19 =	vand.u32 $0x7800, v19  }
0xbd: {  	v24 =	vor.u32 v2, v24;
	v26 =	vadd.s32 v11, v19;
	v27 =	vadd.s32 v13, v19;
	[tilespmem:s29+$0x0] =	vst v20  }
0xbe: {  	v29 =	vadd.s32 v15, v19;
	v32 =	vadd.s32 v14, v19;
	v20 =	vshll.u32 v25, $0x7;
	v18 =	vld.idx.msk [tilespmem:v18+s19+$0x0], $0xffff  }
0xbf: {  	s9 =	simm.s32 $0x3;
	v34 =	vadd.s32 v12, v19;
	v36 =	vadd.s32 v6, v19;
	v20 =	vand.u32 $0x300, v20  }
0xc0: {  	v38 =	vadd.s32 v3, v19;
	v25 =	vmov s9;
	v26 =	vor.u32 v20, v26  }
0xc1: {  	v28 =	vshll.u32 v25, $0x8;
	v25 =	vshll.u32 v25, $0x7;
	v26 =	vor.u32 v7, v26  }
0xc2: {  	v28 =	vand.u32 $0x7800, v28;
	v29 =	vor.u32 v20, v29;
	v25 =	vand.u32 $0x380, v25  }
0xc3: {  	v32 =	vor.u32 v20, v32;
	v34 =	vor.u32 v20, v34;
	[tilespmem:s29+$0x10] =	vst v18;
	v18 =	vadd.s32 v11, v28  }
0xc4: {  	v27 =	vor.u32 v20, v27;
	v36 =	vor.u32 v20, v36;
	v18 =	vor.u32 v25, v18  }
0xc5: {  	v38 =	vor.u32 v20, v38;
	v30 =	vadd.s32 v15, v28;
	v16 =	vld.idx.msk [tilespmem:v16+s19+$0x0], $0xffff;
	v18 =	vor.u32 v7, v18  }
0xc6: {  	v31 =	vadd.s32 v14, v28;
	v33 =	vadd.s32 v13, v28;
	v35 =	vadd.s32 v12, v28;
	v26 =	vld.idx.msk [tilespmem:v26+s19+$0x0], $0xffff  }
0xc7: {  	v27 =	vor.u32 v8, v27;
	v37 =	vadd.s32 v3, v28;
	v53 =	vor.u32 v2, v38  }
0xc8: {  	v33 =	vor.u32 v25, v33;
	v30 =	vor.u32 v25, v30;
	v31 =	vor.u32 v25, v31  }
0xc9: {  	v35 =	vor.u32 v25, v35;
	v37 =	vor.u32 v25, v37;
	v33 =	vor.u32 v8, v33  }
0xca: {  	v30 =	vor.u32 v9, v30;
	[tilespmem:s29+$0x20] =	vst v16;
	v16 =	vadd.s32 v6, v28;
	v18 =	vld.idx.msk [tilespmem:v18+s19+$0x0], $0xffff  }
0xcb: {  	v39 =	vor.u32 v25, v16;
	v21 =	vld.idx.msk [tilespmem:v21+s19+$0x0], $0xffff;
	v16 =	vadd.s32 v1, v19;
	[tilespmem:s29+$0xFFFFFF80] =	vst v26  }
0xcc: {  	s17 =	simm.s32 $0x2;
	v19 =	vor.u32 v5, v22;
	v22 =	vadd.s32 v1, v28;
	v16 =	vor.u32 v20, v16;
	v20 =	vld.idx.msk [tilespmem:v27+s19+$0x0], $0xffff  }
0xcd: {  	s20 =	simm.s32 $0x5;
	v26 =	vmov s17;
	v22 =	vor.u32 v25, v22;
	v25 =	vor.u32 v9, v29  }
0xce: {  	s30 =	simm.s32 $0xE200;
	v27 =	vor.u32 v10, v31;
	v29 =	vmov s20;
	v52 =	vor.u32 v4, v39  }
0xcf: {  	v16 =	vor.u32 v0, v16;
	[tilespmem:s30+$0x0] =	vst v18;
	v18 =	vshll.u32 v26, $0x8;
	v26 =	vshll.u32 v26, $0x7  }
0xd0: {  	[tilespmem:s29+$0x30] =	vst v21;
	v18 =	vand.u32 $0x7800, v18;
	v21 =	vand.u32 $0x300, v26;
	v26 =	vor.u32 v10, v32  }
0xd1: {  	[tilespmem:s29+$0xFFFFFF90] =	vst v20;
	v20 =	vshll.u32 v29, $0x8;
	v29 =	vshll.u32 v29, $0x7;
	v31 =	vadd.s32 v11, v18  }
0xd2: {  	v60 =	vadd.s32 v13, v18;
	v61 =	vadd.s32 v15, v18;
	v20 =	vand.u32 $0x7800, v20  }
0xd3: {  	v28 =	vld.idx.msk [tilespmem:v33+s19+$0x0], $0xffff;
	v29 =	vand.u32 $0x380, v29;
	v43 =	vadd.s32 v12, v18;
	v44 =	vadd.s32 v6, v18  }
0xd4: {  	v45 =	vadd.s32 v3, v18;
	v31 =	vor.u32 v21, v31;
	v33 =	vor.u32 v21, v61  }
0xd5: {  	v19 =	vld.idx.msk [tilespmem:v19+s19+$0x0], $0xffff;
	v40 =	vadd.s32 v11, v20;
	v41 =	vadd.s32 v15, v20;
	v42 =	vadd.s32 v14, v20  }
0xd6: {  	v62 =	vor.u32 v21, v43;
	v32 =	vor.u32 v21, v60;
	v49 =	vadd.s32 v12, v20  }
0xd7: {  	v25 =	vld.idx.msk [tilespmem:v25+s19+$0x0], $0xffff;
	v43 =	vor.u32 v21, v44;
	v51 =	vadd.s32 v3, v20;
	v31 =	vor.u32 v7, v31  }
0xd8: {  	v45 =	vor.u32 v21, v45;
	v40 =	vor.u32 v29, v40;
	v42 =	vor.u32 v29, v42;
	[tilespmem:s30+$0x10] =	vst v28  }
0xd9: {  	v32 =	vor.u32 v8, v32;
	v44 =	vor.u32 v29, v51;
	v40 =	vor.u32 v7, v40;
	v30 =	vld.idx.msk [tilespmem:v30+s19+$0x0], $0xffff  }
0xda: {  	v55 =	vor.u32 v10, v42;
	v28 =	vadd.s32 v14, v18;
	[tilespmem:s29+$0x40] =	vst v19;
	v19 =	vadd.s32 v13, v20  }
0xdb: {  	v18 =	vadd.s32 v1, v18;
	v28 =	vor.u32 v21, v28;
	v23 =	vld.idx.msk [tilespmem:v23+s19+$0x0], $0xffff;
	v19 =	vor.u32 v29, v19  }
0xdc: {  	[tilespmem:s29+$0xFFFFFFA0] =	vst v25;
	v25 =	vor.u32 v29, v41;
	v18 =	vor.u32 v21, v18;
	v31 =	vld.idx.msk [tilespmem:v31+s19+$0x0], $0xffff  }
0xdd: {  	v21 =	vor.u32 v4, v36;
	v41 =	vor.u32 v5, v62;
	v36 =	vor.u32 v4, v43;
	v26 =	vld.idx.msk [tilespmem:v26+s19+$0x0], $0xffff  }
0xde: {  	v19 =	vor.u32 v8, v19;
	v50 =	vld.idx.msk [tilespmem:v40+s19+$0x0], $0xffff;
	[tilespmem:s30+$0x20] =	vst v30;
	v30 =	vor.u32 v5, v34  }
0xdf: {  	v25 =	vor.u32 v9, v25;
	v18 =	vor.u32 v0, v18;
	v28 =	vor.u32 v10, v28  }
0xe0: {  	v40 =	vor.u32 v29, v49;
	[tilespmem:s29+$0x50] =	vst v23;
	v23 =	vadd.s32 v6, v20;
	v27 =	vld.idx.msk [tilespmem:v27+s19+$0x0], $0xffff  }
0xe1: {  	v46 =	vor.u32 v29, v23;
	v23 =	vor.u32 v5, v35;
	v24 =	vld.idx.msk [tilespmem:v24+s19+$0x0], $0xffff;
	[tilespmem:s30+$0xFFFFFF80] =	vst v31  }
0xe2: {  	s0 =	simm.s32 $0xE300;
	s5 =	simm.s32 $0x4;
	v20 =	vadd.s32 v1, v20;
	[tilespmem:s29+$0xFFFFFFB0] =	vst v26;
	v31 =	vor.u32 v0, v17;
	v32 =	vld.idx.msk [tilespmem:v32+s19+$0x0], $0xffff  }
0xe3: {  	v17 =	vor.u32 v29, v20;
	v20 =	vor.u32 v9, v33;
	[tilespmem:s0+$0x0] =	vst v50;
	v26 =	vld.idx.msk [tilespmem:v30+s19+$0x0], $0xffff;
	v30 =	vmov s5  }
0xe4: {  	s31 =	simm.s32 $0x7;
	v29 =	vor.u32 v2, v37;
	v19 =	vld.idx.msk [tilespmem:v19+s19+$0x0], $0xffff;
	v54 =	vshll.u32 v30, $0x8;
	v30 =	vshll.u32 v30, $0x7  }
0xe5: {  	[tilespmem:s30+$0x30] =	vst v27;
	v27 =	vmov s31;
	v35 =	vand.u32 $0x7800, v54;
	v63 =	vand.u32 $0x300, v30  }
0xe6: {  	[tilespmem:s29+$0x60] =	vst v24;
	v23 =	vld.idx.msk [tilespmem:v23+s19+$0x0], $0xffff;
	v24 =	vshll.u32 v27, $0x8;
	v27 =	vshll.u32 v27, $0x7;
	v30 =	vadd.s32 v11, v35  }
0xe7: {  	v58 =	vld.idx.msk [tilespmem:v31+s19+$0x0], $0xffff;
	[tilespmem:s30+$0xFFFFFF90] =	vst v32;
	v56 =	vadd.s32 v13, v35;
	v57 =	vadd.s32 v15, v35;
	v24 =	vand.u32 $0x7800, v24  }
0xe8: {  	v47 =	vand.u32 $0x380, v27;
	v27 =	vadd.s32 v14, v35;
	v62 =	vadd.s32 v3, v35;
	v20 =	vld.idx.msk [tilespmem:v20+s19+$0x0], $0xffff  }
0xe9: {  	v30 =	vor.u32 v63, v30;
	v59 =	vor.u32 v63, v57;
	v31 =	vadd.s32 v14, v24;
	[tilespmem:s0+$0x10] =	vst v19  }
0xea: {  	v19 =	vadd.s32 v11, v24;
	v27 =	vor.u32 v63, v27;
	[tilespmem:s29+$0xFFFFFFC0] =	vst v26;
	v26 =	vor.u32 v7, v30  }
0xeb: {  	v61 =	vadd.s32 v3, v24;
	v32 =	vor.u32 v63, v62;
	v19 =	vor.u32 v47, v19  }
0xec: {  	v30 =	vadd.s32 v15, v24;
	v60 =	vld.idx.msk [tilespmem:v25+s19+$0x0], $0xffff;
	v50 =	vor.u32 v47, v31;
	v48 =	vor.u32 v7, v19  }
0xed: {  	v39 =	vor.u32 v9, v59;
	v21 =	vld.idx.msk [tilespmem:v21+s19+$0x0], $0xffff;
	[tilespmem:s30+$0x40] =	vst v23;
	v23 =	vadd.s32 v13, v24  }
0xee: {  	[tilespmem:s29+$0x70] =	vst v58;
	v33 =	vld.idx.msk [tilespmem:v52+s19+$0x0], $0xffff;
	v19 =	vor.u32 v47, v23;
	v23 =	vadd.s32 v12, v35  }
0xef: {  	[tilespmem:s30+$0xFFFFFFA0] =	vst v20;
	v49 =	vor.u32 v8, v19;
	v20 =	vor.u32 v47, v30;
	v30 =	vld.idx.msk [tilespmem:v26+s19+$0x0], $0xffff  }
0xf0: {  	v19 =	vor.u32 v63, v23;
	v25 =	vor.u32 v9, v20;
	v20 =	vor.u32 v63, v56;
	v28 =	vld.idx.msk [tilespmem:v28+s19+$0x0], $0xffff  }
0xf1: {  	v23 =	vadd.s32 v6, v24;
	[tilespmem:s0+$0x20] =	vst v60;
	v31 =	vor.u32 v8, v20;
	v48 =	vld.idx.msk [tilespmem:v48+s19+$0x0], $0xffff  }
0xf2: {  	v23 =	vor.u32 v47, v23;
	[tilespmem:s29+$0xFFFFFFD0] =	vst v21;
	v21 =	vadd.s32 v12, v24;
	v51 =	vld.idx.msk [tilespmem:v55+s19+$0x0], $0xffff  }
0xf3: {  	v20 =	vadd.s32 v6, v35;
	v24 =	vadd.s32 v1, v24;
	v26 =	vld.idx.msk [tilespmem:v53+s19+$0x0], $0xffff;
	[tilespmem:s30+$0x50] =	vst v33  }
0xf4: {  	v21 =	vor.u32 v47, v21;
	v20 =	vor.u32 v63, v20;
	v53 =	vor.u32 v5, v40;
	v52 =	vld.idx.msk [tilespmem:v29+s19+$0x0], $0xffff  }
0xf5: {  	v33 =	vor.u32 v10, v50;
	v29 =	vor.u32 v0, v22;
	[tilespmem:s0+$0xFFFFFF80] =	vst v30;
	v30 =	vor.u32 v47, v61  }
0xf6: {  	s5 =	simm.s32 $0xE400;
	[tilespmem:s30+$0xFFFFFFB0] =	vst v28;
	v28 =	vadd.s32 v1, v35;
	v35 =	vor.u32 v4, v46;
	v38 =	vld.idx.msk [tilespmem:v31+s19+$0x0], $0xffff  }
0xf7: {  	s8 =	simm.s32 $0x6;
	v34 =	vld.idx.msk [tilespmem:v41+s19+$0x0], $0xffff;
	v31 =	vor.u32 v47, v24;
	v22 =	vor.u32 v63, v28;
	[tilespmem:s5+$0x0] =	vst v48  }
0xf8: {  	v24 =	vor.u32 v2, v44;
	v63 =	vmov s8;
	[tilespmem:s0+$0x30] =	vst v51;
	v28 =	vor.u32 v2, v45;
	v40 =	vld.idx.msk [tilespmem:v49+s19+$0x0], $0xffff  }
0xf9: {  	s17 =	simm.s32 $0x8;
	v22 =	vor.u32 v0, v22;
	v41 =	vshll.u32 v63, $0x8;
	v42 =	vshll.u32 v63, $0x7;
	v37 =	vld.idx.msk [tilespmem:v53+s19+$0x0], $0xffff;
	[tilespmem:s30+$0x60] =	vst v52  }
.LBB2_3:
0xfa: {  	s8 =	sadd.s32 $0x1, s17;
	v41 =	vand.u32 $0x7800, v41;
	v42 =	vand.u32 $0x300, v42  }
0xfb: {  	p1 =	slt.u32 s17, $0x6E;
	[tilespmem:s0+$0xFFFFFF90] =	vst v38;
	v38 =	vor.u32 v10, v27;
	v43 =	vmovc v32;
	v44 =	vmovc v30;
	v45 =	vmov v17;
	v17 =	vmov v31;
	s20 =	smov.u32 s17;
	s17 =	sadd.s32 $0x2, s17  }
0xfc: {  	v27 =	vmov s8;
	v30 =	vadd.s32 v11, v41;
	v31 =	vadd.s32 v13, v41;
	v32 =	vld.idx.msk [tilespmem:v39+s19+$0x0], $0xffff;
	[tilespmem:s30+$0xFFFFFFC0] =	vst v34  }
0xfd: {  	v39 =	vadd.s32 v15, v41;
	v34 =	vshll.u32 v27, $0x8;
	v30 =	vor.u32 v42, v30;
	v46 =	vld.idx.msk [tilespmem:v29+s19+$0x0], $0xffff;
	[tilespmem:s29+$0xFFFFFFE0] =	vst v26  }
0xfe: {  	v39 =	vor.u32 v42, v39;
	v29 =	vand.u32 $0x7800, v34;
	v26 =	vor.u32 v7, v30;
	v30 =	vld.idx.msk [tilespmem:v36+s19+$0x0], $0xffff  }
0xff: {  	v27 =	vshll.u32 v27, $0x7;
	v34 =	vadd.s32 v15, v29;
	v36 =	vadd.s32 v14, v29;
	[tilespmem:s5+$0x10] =	vst v40;
	v40 =	vld.idx.msk [tilespmem:v16+s19+$0x0], $0xffff  }
0x100: {  	v47 =	vand.u32 $0x380, v27;
	v27 =	vadd.s32 v14, v41;
	v16 =	vadd.s32 v11, v29;
	v48 =	vld.idx.msk [tilespmem:v25+s19+$0x0], $0xffff;
	[tilespmem:s0+$0x40] =	vst v37  }
0x101: {  	v27 =	vor.u32 v42, v27;
	v16 =	vor.u32 v47, v16;
	v25 =	vadd.s32 v13, v29;
	v35 =	vld.idx.msk [tilespmem:v35+s19+$0x0], $0xffff  }
0x102: {  	v37 =	vor.u32 v7, v16;
	v51 =	vor.u32 v47, v25;
	v25 =	vadd.s32 v12, v41;
	[tilespmem:s0+$0xFFFFFFA0] =	vst v32  }
0x103: {  	v50 =	vor.u32 v47, v34;
	v49 =	vor.u32 v8, v51;
	v34 =	vor.u32 v42, v25;
	v32 =	vld.idx.msk [tilespmem:v26+s19+$0x0], $0xffff  }
0x104: {  	v25 =	vor.u32 v9, v50;
	v26 =	vor.u32 v42, v31;
	v16 =	vmov v18;
	v31 =	vld.idx.msk [tilespmem:v38+s19+$0x0], $0xffff;
	[tilespmem:s30+$0xFFFFFFD0] =	vst v30  }
0x105: {  	v50 =	vor.u32 v47, v36;
	v38 =	vadd.s32 v12, v29;
	v36 =	vor.u32 v8, v26;
	[tilespmem:s29+$0xFFFFFFF0] =	vst v40;
	s29 =	smov.u32 s30;
	s30 =	smov.u32 s0;
	s0 =	smov.u32 s5  }
0x106: {  	v30 =	vadd.s32 v6, v41;
	v40 =	vor.u32 v5, v19;
	v19 =	vmov v34;
	[tilespmem:s5+$0x20] =	vst v48;
	v26 =	vld.idx.msk [tilespmem:v28+s19+$0x0], $0xffff  }
0x107: {  	v18 =	vmov v22;
	v34 =	vor.u32 v47, v38;
	v28 =	vld.idx.msk [tilespmem:v37+s19+$0x0], $0xffff;
	v37 =	vor.u32 v42, v30;
	[tilespmem:s30+$0x50] =	vst v35  }
0x108: {  	v22 =	vadd.s32 v6, v29;
	v30 =	vadd.s32 v3, v29;
	v35 =	vadd.s32 v3, v41;
	v33 =	vld.idx.msk [tilespmem:v33+s19+$0x0], $0xffff  }
0x109: {  	v48 =	vor.u32 v47, v22;
	[tilespmem:s5+$0xFFFFFF80] =	vst v32;
	v32 =	vor.u32 v42, v35;
	v51 =	vld.idx.msk [tilespmem:v24+s19+$0x0], $0xffff  }
0x10a: {  	v52 =	vor.u32 v5, v21;
	v21 =	vmov v34;
	v30 =	vor.u32 v47, v30;
	v38 =	vld.idx.msk [tilespmem:v36+s19+$0x0], $0xffff;
	[tilespmem:s30+$0xFFFFFFB0] =	vst v31  }
.Ltmp4:
0x10b: {  	v22 =	vadd.s32 v1, v29;
	v29 =	vor.u32 v0, v45;
	v24 =	vadd.s32 v1, v41;
	v34 =	vld.idx.msk [tilespmem:v40+s19+$0x0], $0xffff;
	(pc) =	sbr.rel @p1 .LBB2_3-.Ltmp4, $4  }
0x10c: {  	v39 =	vor.u32 v9, v39;
	s5 =	sadd.s32 $0x100, s5;
	v31 =	vor.u32 v47, v22;
	v22 =	vor.u32 v42, v24;
	[tilespmem:s29+$0x70] =	vst v46  }
0x10d: {  	v24 =	vor.u32 v2, v44;
	v36 =	vor.u32 v4, v20;
	v22 =	vor.u32 v0, v22;
	[tilespmem:s5+$0x0] =	vst v28  }
0x10e: {  	v35 =	vor.u32 v4, v23;
	v42 =	vmov s20;
	v20 =	vmovc v37;
	v28 =	vor.u32 v2, v43;
	v40 =	vld.idx.msk [tilespmem:v49+s19+$0x0], $0xffff;
	[tilespmem:s0+$0x30] =	vst v33  }
0x10f: {  	v23 =	vmovc v48;
	v41 =	vshll.u32 v42, $0x8;
	v42 =	vshll.u32 v42, $0x7;
	v33 =	vor.u32 v10, v50;
	v37 =	vld.idx.msk [tilespmem:v52+s19+$0x0], $0xffff;
	[tilespmem:s30+$0x60] =	vst v51  }
0x110: {  	v41 =	vand.u32 $0x7800, v41  }
0x111: {  	v42 =	vand.u32 $0x300, v42;
	v11 =	vadd.s32 v11, v41  }
0x112: {  	v11 =	vor.u32 v42, v11  }
0x113: {  	v7 =	vor.u32 v7, v11;
	_ =	sdelay $0x3  }
0x114: {  	v57 =	vadd.s32 v13, v41  }
0x115: {  	v11 =	vor.u32 v42, v57;
	v7 =	vld.idx.msk [tilespmem:v7+s19+$0x0], $0xffff  }
0x116: {  	v8 =	vor.u32 v8, v11;
	_ =	sdelay $0x3  }
0x117: {  	v58 =	vadd.s32 v15, v41;
	[tilespmem:s5+$0xFFFFFF80] =	vst v7  }
0x118: {  	v59 =	vor.u32 v42, v58;
	v8 =	vld.idx.msk [tilespmem:v8+s19+$0x0], $0xffff  }
0x119: {  	v7 =	vor.u32 v9, v59;
	_ =	sdelay $0x1  }
0x11a: {  	[tilespmem:s0+$0xFFFFFF90] =	vst v38  }
0x11b: {  	v60 =	vld.idx.msk [tilespmem:v39+s19+$0x0], $0xffff;
	[tilespmem:s5+$0x10] =	vst v40  }
0x11c: {  	v61 =	vor.u32 v10, v27;
	v62 =	vadd.s32 v14, v41;
	v63 =	vld.idx.msk [tilespmem:v25+s19+$0x0], $0xffff;
	[tilespmem:s5+$0xFFFFFF90] =	vst v8  }
0x11d: {  	v25 =	vor.u32 v42, v62;
	v7 =	vld.idx.msk [tilespmem:v7+s19+$0x0], $0xffff  }
0x11e: {  	v8 =	vor.u32 v10, v25;
	_ =	sdelay $0x1  }
0x11f: {  	[tilespmem:s0+$0xFFFFFFA0] =	vst v60  }
0x120: {  	[tilespmem:s5+$0x20] =	vst v63;
	v9 =	vld.idx.msk [tilespmem:v61+s19+$0x0], $0xffff  }
0x121: {  	v38 =	vor.u32 v5, v19;
	v27 =	vadd.s32 v12, v41;
	v39 =	vld.idx.msk [tilespmem:v33+s19+$0x0], $0xffff;
	[tilespmem:s5+$0xFFFFFFA0] =	vst v7  }
0x122: {  	v43 =	vor.u32 v5, v21;
	v40 =	vor.u32 v42, v27;
	v8 =	vld.idx.msk [tilespmem:v8+s19+$0x0], $0xffff  }
0x123: {  	v44 =	vor.u32 v5, v40;
	_ =	sdelay $0x1  }
0x124: {  	[tilespmem:s0+$0xFFFFFFB0] =	vst v9  }
0x125: {  	[tilespmem:s5+$0x30] =	vst v39;
	v45 =	vld.idx.msk [tilespmem:v38+s19+$0x0], $0xffff  }
0x126: {  	v46 =	vor.u32 v4, v20;
	v6 =	vadd.s32 v6, v41;
	v10 =	vld.idx.msk [tilespmem:v43+s19+$0x0], $0xffff;
	[tilespmem:s5+$0xFFFFFFB0] =	vst v8  }
0x127: {  	v47 =	vor.u32 v4, v23;
	v6 =	vor.u32 v42, v6;
	v5 =	vld.idx.msk [tilespmem:v44+s19+$0x0], $0xffff  }
0x128: {  	[tilespmem:s30+$0xFFFFFFC0] =	vst v34;
	v48 =	vor.u32 v4, v6  }
0x129: {  	v49 =	vld.idx.msk [tilespmem:v36+s19+$0x0], $0xffff;
	[tilespmem:s0+$0x40] =	vst v37  }
0x12a: {  	v50 =	vld.idx.msk [tilespmem:v35+s19+$0x0], $0xffff;
	[tilespmem:s0+$0xFFFFFFC0] =	vst v45  }
0x12b: {  	[tilespmem:s5+$0x40] =	vst v10;
	v7 =	vld.idx.msk [tilespmem:v46+s19+$0x0], $0xffff  }
0x12c: {  	v51 =	vor.u32 v2, v32;
	v3 =	vadd.s32 v3, v41;
	v8 =	vld.idx.msk [tilespmem:v47+s19+$0x0], $0xffff;
	[tilespmem:s5+$0xFFFFFFC0] =	vst v5  }
0x12d: {  	[tilespmem:s29+$0xFFFFFFE0] =	vst v26;
	v52 =	vor.u32 v2, v30;
	v3 =	vor.u32 v42, v3;
	v4 =	vld.idx.msk [tilespmem:v48+s19+$0x0], $0xffff  }
0x12e: {  	v53 =	vld.idx.msk [tilespmem:v16+s19+$0x0], $0xffff;
	v54 =	vor.u32 v2, v3;
	[tilespmem:s30+$0xFFFFFFD0] =	vst v49  }
0x12f: {  	v55 =	vld.idx.msk [tilespmem:v28+s19+$0x0], $0xffff;
	[tilespmem:s0+$0x50] =	vst v50  }
0x130: {  	v56 =	vld.idx.msk [tilespmem:v24+s19+$0x0], $0xffff;
	[tilespmem:s0+$0xFFFFFFD0] =	vst v7  }
0x131: {  	v57 =	vor.u32 v0, v17;
	v9 =	vld.idx.msk [tilespmem:v51+s19+$0x0], $0xffff;
	[tilespmem:s5+$0x50] =	vst v8  }
0x132: {  	v1 =	vadd.s32 v1, v41;
	v5 =	vld.idx.msk [tilespmem:v52+s19+$0x0], $0xffff;
	[tilespmem:s5+$0xFFFFFFD0] =	vst v4  }
0x133: {  	v1 =	vor.u32 v42, v1;
	v58 =	vor.u32 v0, v31;
	[tilespmem:s29+$0xFFFFFFF0] =	vst v53;
	v2 =	vld.idx.msk [tilespmem:v54+s19+$0x0], $0xffff  }
0x134: {  	v60 =	vor.u32 v0, v1;
	[tilespmem:s30+$0xFFFFFFE0] =	vst v55;
	v59 =	vld.idx.msk [tilespmem:v29+s19+$0x0], $0xffff  }
0x135: {  	v61 =	vld.idx.msk [tilespmem:v18+s19+$0x0], $0xffff;
	[tilespmem:s0+$0x60] =	vst v56  }
0x136: {  	v62 =	vld.idx.msk [tilespmem:v57+s19+$0x0], $0xffff;
	[tilespmem:s0+$0xFFFFFFE0] =	vst v9  }
0x137: {  	v63 =	vld.idx.msk [tilespmem:v22+s19+$0x0], $0xffff;
	[tilespmem:s5+$0x60] =	vst v5  }
0x138: {  	v4 =	vld.idx.msk [tilespmem:v58+s19+$0x0], $0xffff;
	[tilespmem:s5+$0xFFFFFFE0] =	vst v2  }
0x139: {  	[tilespmem:s30+$0x70] =	vst v59;
	v0 =	vld.idx.msk [tilespmem:v60+s19+$0x0], $0xffff  }
0x13a: {  	p1 =	seq.s32 s28, $0x2F;
	[tilespmem:s30+$0xFFFFFFF0] =	vst v61  }
.Ltmp5:
0x13b: {  	[tilespmem:s0+$0x70] =	vst v62;
	(pc) =	sbr.rel @p1 .LBB2_6-.Ltmp5, $4  }
0x13c: {  	[tilespmem:s0+$0xFFFFFFF0] =	vst v63  }
0x13d: {  	[tilespmem:s5+$0x70] =	vst v4  }
0x13e: {  	s29 =	simm.s32 $0x2920;
	[tilespmem:s5+$0xFFFFFFF0] =	vst v0  }
0x13f: {  	[spmem:s12] =	stream.linear.scatter [tilespmem:s26], [sflag:$0x3], $0x3800, $0x38;
	[tilespmem:$0x1C080] =	vst v63  }
0x140: {  	s29 =	smul.u32 $0xE0, s28;
	_ =	sdelay $0x1  }
0x141: {  	s0 =	sadd.s32 s29, s13  }
0x142: {  	s0 =	sshll.u32 s0, $0x5  }
0x143: {  	s5 =	sadd.s32 s1, s0  }
0x144: {  	[tilespmem:s19], [sflag:$0x1] =	stream.linear.gather [hbm4b:s5+s4], $0x400, $0x38;
	[tilespmem:$0x1C080] =	vst v63  }
0x145: {  	s9 =	simm.s32 $0x880;
	s8 =	sadd.s32 $0x100, s5  }
0x146: {  	[tilespmem:s9], [sflag:$0x1] =	stream.linear.gather [hbm4b:s8+s4], $0x400, $0x38;
	[tilespmem:$0x1C080] =	vst v63  }
0x147: {  	s31 =	simm.s32 $0x1080;
	s30 =	sadd.s32 $0x200, s5  }
0x148: {  	[tilespmem:s31], [sflag:$0x1] =	stream.linear.gather [hbm4b:s30+s4], $0x400, $0x38;
	[tilespmem:$0x1C080] =	vst v63  }
0x149: {  	s20 =	simm.s32 $0x1880;
	s17 =	sadd.s32 $0x300, s5  }
0x14a: {  	[tilespmem:s20], [sflag:$0x1] =	stream.linear.gather [hbm4b:s17+s4], $0x400, $0x38;
	[tilespmem:$0x1C080] =	vst v63  }
0x14b: {  	s30 =	sadd.s32 $0x400, s5;
	s31 =	simm.s32 $0x2080  }
0x14c: {  	[tilespmem:s31], [sflag:$0x1] =	stream.linear.gather [hbm4b:s30+s4], $0x400, $0x38;
	[tilespmem:$0x1C080] =	vst v63  }
0x14d: {  	s17 =	sadd.s32 $0x500, s5;
	s20 =	simm.s32 $0x2880  }
0x14e: {  	[tilespmem:s20], [sflag:$0x1] =	stream.linear.gather [hbm4b:s17+s4], $0x400, $0x38;
	[tilespmem:$0x1C080] =	vst v63  }
0x14f: {  	s30 =	sadd.s32 $0x600, s5;
	s31 =	simm.s32 $0x3080  }
0x150: {  	[tilespmem:s31], [sflag:$0x1] =	stream.linear.gather [hbm4b:s30+s4], $0x400, $0x38;
	[tilespmem:$0x1C080] =	vst v63  }
0x151: {  	s17 =	sadd.s32 $0x700, s5;
	s20 =	simm.s32 $0x3880  }
0x152: {  	[tilespmem:s20], [sflag:$0x1] =	stream.linear.gather [hbm4b:s17+s4], $0x400, $0x38;
	[tilespmem:$0x1C080] =	vst v63  }
0x153: {  	s30 =	sadd.s32 $0x800, s5;
	s31 =	simm.s32 $0x4080  }
0x154: {  	[tilespmem:s31], [sflag:$0x1] =	stream.linear.gather [hbm4b:s30+s4], $0x400, $0x38;
	[tilespmem:$0x1C080] =	vst v63  }
0x155: {  	s17 =	sadd.s32 $0x900, s5;
	s20 =	simm.s32 $0x4880  }
0x156: {  	[tilespmem:s20], [sflag:$0x1] =	stream.linear.gather [hbm4b:s17+s4], $0x400, $0x38;
	[tilespmem:$0x1C080] =	vst v63  }
0x157: {  	s30 =	sadd.s32 $0xA00, s5;
	s31 =	simm.s32 $0x5080  }
0x158: {  	[tilespmem:s31], [sflag:$0x1] =	stream.linear.gather [hbm4b:s30+s4], $0x400, $0x38;
	[tilespmem:$0x1C080] =	vst v63  }
0x159: {  	s17 =	sadd.s32 $0xB00, s5;
	s20 =	simm.s32 $0x5880  }
0x15a: {  	[tilespmem:s20], [sflag:$0x1] =	stream.linear.gather [hbm4b:s17+s4], $0x400, $0x38;
	[tilespmem:$0x1C080] =	vst v63  }
0x15b: {  	s30 =	sadd.s32 $0xC00, s5;
	s31 =	simm.s32 $0x6080  }
0x15c: {  	[tilespmem:s31], [sflag:$0x1] =	stream.linear.gather [hbm4b:s30+s4], $0x400, $0x38;
	[tilespmem:$0x1C080] =	vst v63  }
0x15d: {  	s5 =	sadd.s32 $0xD00, s5;
	s17 =	simm.s32 $0x6880  }
0x15e: {  	[tilespmem:s17], [sflag:$0x1] =	stream.linear.gather [hbm4b:s5+s4], $0x400, $0x38;
	[tilespmem:$0x1C080] =	vst v63  }
0x15f: {  	s0 =	sadd.s32 s0, s7;
	s20 =	simm.s32 $0x480  }
0x160: {  	[tilespmem:s20], [sflag:$0x1] =	stream.linear.gather [hbm4b:s0+s4], $0x400, $0x38;
	[tilespmem:$0x1C080] =	vst v63  }
0x161: {  	s30 =	sadd.s32 $0x100, s0;
	s31 =	simm.s32 $0xC80  }
0x162: {  	[tilespmem:s31], [sflag:$0x1] =	stream.linear.gather [hbm4b:s30+s4], $0x400, $0x38;
	[tilespmem:$0x1C080] =	vst v63  }
0x163: {  	s8 =	sadd.s32 $0x200, s0;
	s9 =	simm.s32 $0x1480  }
0x164: {  	[tilespmem:s9], [sflag:$0x1] =	stream.linear.gather [hbm4b:s8+s4], $0x400, $0x38;
	[tilespmem:$0x1C080] =	vst v63  }
0x165: {  	s17 =	sadd.s32 $0x300, s0;
	s20 =	simm.s32 $0x1C80  }
0x166: {  	[tilespmem:s20], [sflag:$0x1] =	stream.linear.gather [hbm4b:s17+s4], $0x400, $0x38;
	[tilespmem:$0x1C080] =	vst v63  }
0x167: {  	s30 =	sadd.s32 $0x400, s0;
	s31 =	simm.s32 $0x2480  }
0x168: {  	[tilespmem:s31], [sflag:$0x1] =	stream.linear.gather [hbm4b:s30+s4], $0x400, $0x38;
	[tilespmem:$0x1C080] =	vst v63  }
0x169: {  	s8 =	sadd.s32 $0x500, s0;
	s9 =	simm.s32 $0x2C80  }
0x16a: {  	[tilespmem:s9], [sflag:$0x1] =	stream.linear.gather [hbm4b:s8+s4], $0x400, $0x38;
	[tilespmem:$0x1C080] =	vst v63  }
0x16b: {  	s17 =	sadd.s32 $0x600, s0;
	s20 =	simm.s32 $0x3480  }
0x16c: {  	[tilespmem:s20], [sflag:$0x1] =	stream.linear.gather [hbm4b:s17+s4], $0x400, $0x38;
	[tilespmem:$0x1C080] =	vst v63  }
0x16d: {  	s30 =	sadd.s32 $0x700, s0;
	s31 =	simm.s32 $0x3C80  }
0x16e: {  	[tilespmem:s31], [sflag:$0x1] =	stream.linear.gather [hbm4b:s30+s4], $0x400, $0x38;
	[tilespmem:$0x1C080] =	vst v63  }
0x16f: {  	s8 =	sadd.s32 $0x800, s0;
	s9 =	simm.s32 $0x4480  }
0x170: {  	[tilespmem:s9], [sflag:$0x1] =	stream.linear.gather [hbm4b:s8+s4], $0x400, $0x38;
	[tilespmem:$0x1C080] =	vst v63  }
0x171: {  	s17 =	sadd.s32 $0x900, s0;
	s20 =	simm.s32 $0x4C80  }
0x172: {  	[tilespmem:s20], [sflag:$0x1] =	stream.linear.gather [hbm4b:s17+s4], $0x400, $0x38;
	[tilespmem:$0x1C080] =	vst v63  }
0x173: {  	s30 =	sadd.s32 $0xA00, s0;
	s31 =	simm.s32 $0x5480  }
0x174: {  	[tilespmem:s31], [sflag:$0x1] =	stream.linear.gather [hbm4b:s30+s4], $0x400, $0x38;
	[tilespmem:$0x1C080] =	vst v63  }
0x175: {  	s9 =	sadd.s32 $0xB00, s0;
	s17 =	simm.s32 $0x5C80  }
0x176: {  	[tilespmem:s17], [sflag:$0x1] =	stream.linear.gather [hbm4b:s9+s4], $0x400, $0x38;
	[tilespmem:$0x1C080] =	vst v63  }
0x177: {  	s20 =	sadd.s32 $0xC00, s0;
	s30 =	simm.s32 $0x6480  }
0x178: {  	[tilespmem:s30], [sflag:$0x1] =	stream.linear.gather [hbm4b:s20+s4], $0x400, $0x38;
	[tilespmem:$0x1C080] =	vst v63  }
0x179: {  	s0 =	sadd.s32 $0xD00, s0;
	s31 =	simm.s32 $0x6C80  }
0x17a: {  	[tilespmem:s31], [sflag:$0x1] =	stream.linear.gather [hbm4b:s0+s4], $0x400, $0x38;
	[tilespmem:$0x1C080] =	vst v63  }
.LBB2_6:
0x17b: {  	_ =	swait.ge [sflag:s18], $0x3800;
	s0 =	sadd.s32 s6, s29;
	s30 =	sshll.u32 s2, $0x6  }
0x17c: {  	s8 =	sshrl.u32 s12, $0x3;
	[sflag:s18] =	ssyncset.done $0x0;
	s0 =	sshll.u32 s0, $0x4  }
0x17d: {  	s5 =	sor.u32 $0x1C05, s30;
	[sflag:s18] =	ssyncadd.s32 $0xFFFFC800;
	s0 =	sadd.s32 s3, s0  }
0x17e: {  	[hbm:s0], [sflag:s5] =	dma.local [spmem:s8], $0x700  }
0x17f: {  	_ =	swait.ge [sflag:s21], $0x3800  }
0x180: {  	[sflag:s21] =	ssyncset.done $0x0  }
0x181: {  	[sflag:s21] =	ssyncadd.s32 $0xFFFFC800  }
0x182: {  	_ =	swait.ge [sflag:s21], $0x3800  }
0x183: {  	[sflag:s21] =	ssyncset.done $0x0  }
0x184: {  	s0 =	simm.s32 @!p0 $0x6;
	[sflag:s21] =	ssyncadd.s32 $0xFFFFC800  }
0x185: {  	_ =	swait.ge @!p0 [sflag:s0], $0x700  }
0x186: {  	[sflag:s0] =	ssyncset.done @!p0 $0x0  }
0x187: {  	[sflag:s0] =	ssyncadd.s32 @!p0 $0xFFFFF900  }
0x188: {  	v0 =	vld [tilespmem:$0x0]  }
0x189: {  	v1 =	vld [tilespmem:$0x10]  }
0x18a: {  	v2 =	vld [tilespmem:$0x20];
	_ =	sdelay $0x1  }
0x18b: {  	s9 =	simm.s32 $0x0;
	v4 =	vld [tilespmem:$0x30]  }
0x18c: {  	v25 =	vmov s9;
	v3 =	vshll.u32 v0, $0x3  }
0x18d: {  	s8 =	simm.s32 $0x1;
	v6 =	vld [tilespmem:$0x50];
	v7 =	vand.u32 $0x7F, v0;
	v8 =	vand.u32 $0x7F, v1;
	v1 =	vshll.u32 v1, $0x3  }
0x18e: {  	v0 =	vld [tilespmem:$0x40];
	v9 =	vand.u32 $0x7F, v2;
	v11 =	vand.u32 $0xFFFFFC00, v3;
	v3 =	vmov s8  }
0x18f: {  	v2 =	vshll.u32 v2, $0x3;
	v13 =	vand.u32 $0xFFFFFC00, v1;
	v1 =	vshll.u32 v3, $0x8  }
0x190: {  	v16 =	vld [tilespmem:$0x60];
	v10 =	vand.u32 $0x7F, v4;
	v17 =	vand.u32 $0x7800, v1;
	v1 =	vshll.u32 v3, $0x7  }
0x191: {  	v18 =	vld [tilespmem:$0x70];
	v15 =	vand.u32 $0xFFFFFC00, v2;
	v2 =	vadd.s32 v11, v17;
	v19 =	vand.u32 $0x380, v1  }
0x192: {  	v1 =	vshll.u32 v4, $0x3;
	v4 =	vand.u32 $0x7F, v6;
	v2 =	vor.u32 v19, v2  }
0x193: {  	v14 =	vand.u32 $0xFFFFFC00, v1;
	v1 =	vshll.u32 v0, $0x3;
	v5 =	vand.u32 $0x7F, v0  }
0x194: {  	v0 =	vshll.u32 v6, $0x3;
	v20 =	vor.u32 v7, v2;
	v12 =	vand.u32 $0xFFFFFC00, v1  }
0x195: {  	v6 =	vand.u32 $0xFFFFFC00, v0;
	v0 =	vshll.u32 v16, $0x3;
	v2 =	vand.u32 $0x7F, v16  }
0x196: {  	v1 =	vshll.u32 v18, $0x3;
	v16 =	vadd.s32 v15, v17;
	v21 =	vadd.s32 v14, v17  }
0x197: {  	v3 =	vand.u32 $0xFFFFFC00, v0;
	v0 =	vand.u32 $0x7F, v18;
	v18 =	vadd.s32 v13, v17  }
0x198: {  	v1 =	vand.u32 $0xFFFFFC00, v1;
	v16 =	vor.u32 v19, v16;
	v21 =	vor.u32 v19, v21  }
0x199: {  	v22 =	vadd.s32 v12, v17;
	v23 =	vadd.s32 v6, v17;
	v18 =	vor.u32 v19, v18;
	v20 =	vld.idx.msk [tilespmem:v20+s24+$0x0], $0xffff  }
0x19a: {  	v16 =	vor.u32 v9, v16;
	v22 =	vor.u32 v19, v22;
	v18 =	vor.u32 v8, v18  }
0x19b: {  	v24 =	vadd.s32 v3, v17;
	v23 =	vor.u32 v19, v23;
	v17 =	vadd.s32 v1, v17  }
0x19c: {  	v24 =	vor.u32 v19, v24;
	v17 =	vor.u32 v19, v17;
	v19 =	vshll.u32 v25, $0x8  }
0x19d: {  	s31 =	simm.s32 $0x11900;
	v21 =	vor.u32 v10, v21;
	v23 =	vor.u32 v4, v23;
	v19 =	vand.u32 $0x7800, v19  }
0x19e: {  	v24 =	vor.u32 v2, v24;
	v26 =	vadd.s32 v11, v19;
	v27 =	vadd.s32 v13, v19;
	[tilespmem:s31+$0x0] =	vst v20  }
0x19f: {  	v29 =	vadd.s32 v15, v19;
	v32 =	vadd.s32 v14, v19;
	v20 =	vshll.u32 v25, $0x7;
	v18 =	vld.idx.msk [tilespmem:v18+s24+$0x0], $0xffff  }
0x1a0: {  	s17 =	simm.s32 $0x3;
	v34 =	vadd.s32 v12, v19;
	v36 =	vadd.s32 v6, v19;
	v20 =	vand.u32 $0x300, v20  }
0x1a1: {  	v38 =	vadd.s32 v3, v19;
	v25 =	vmov s17;
	v26 =	vor.u32 v20, v26  }
0x1a2: {  	v28 =	vshll.u32 v25, $0x8;
	v25 =	vshll.u32 v25, $0x7;
	v26 =	vor.u32 v7, v26  }
0x1a3: {  	v28 =	vand.u32 $0x7800, v28;
	v29 =	vor.u32 v20, v29;
	v25 =	vand.u32 $0x380, v25  }
0x1a4: {  	v32 =	vor.u32 v20, v32;
	v34 =	vor.u32 v20, v34;
	[tilespmem:s31+$0x10] =	vst v18;
	v18 =	vadd.s32 v11, v28  }
0x1a5: {  	v27 =	vor.u32 v20, v27;
	v36 =	vor.u32 v20, v36;
	v18 =	vor.u32 v25, v18  }
0x1a6: {  	v38 =	vor.u32 v20, v38;
	v30 =	vadd.s32 v15, v28;
	v16 =	vld.idx.msk [tilespmem:v16+s24+$0x0], $0xffff;
	v18 =	vor.u32 v7, v18  }
0x1a7: {  	v31 =	vadd.s32 v14, v28;
	v33 =	vadd.s32 v13, v28;
	v35 =	vadd.s32 v12, v28;
	v26 =	vld.idx.msk [tilespmem:v26+s24+$0x0], $0xffff  }
0x1a8: {  	v27 =	vor.u32 v8, v27;
	v37 =	vadd.s32 v3, v28;
	v53 =	vor.u32 v2, v38  }
0x1a9: {  	v33 =	vor.u32 v25, v33;
	v30 =	vor.u32 v25, v30;
	v31 =	vor.u32 v25, v31  }
0x1aa: {  	v35 =	vor.u32 v25, v35;
	v37 =	vor.u32 v25, v37;
	v33 =	vor.u32 v8, v33  }
0x1ab: {  	v30 =	vor.u32 v9, v30;
	[tilespmem:s31+$0x20] =	vst v16;
	v16 =	vadd.s32 v6, v28;
	v18 =	vld.idx.msk [tilespmem:v18+s24+$0x0], $0xffff  }
0x1ac: {  	v39 =	vor.u32 v25, v16;
	v21 =	vld.idx.msk [tilespmem:v21+s24+$0x0], $0xffff;
	v16 =	vadd.s32 v1, v19;
	[tilespmem:s31+$0xFFFFFF80] =	vst v26  }
0x1ad: {  	s20 =	simm.s32 $0x2;
	v19 =	vor.u32 v5, v22;
	v22 =	vadd.s32 v1, v28;
	v16 =	vor.u32 v20, v16;
	v20 =	vld.idx.msk [tilespmem:v27+s24+$0x0], $0xffff  }
0x1ae: {  	s8 =	simm.s32 $0x5;
	v26 =	vmov s20;
	v22 =	vor.u32 v25, v22;
	v25 =	vor.u32 v9, v29  }
0x1af: {  	s0 =	simm.s32 $0x11A00;
	v27 =	vor.u32 v10, v31;
	v29 =	vmov s8;
	v52 =	vor.u32 v4, v39  }
0x1b0: {  	v16 =	vor.u32 v0, v16;
	[tilespmem:s0+$0x0] =	vst v18;
	v18 =	vshll.u32 v26, $0x8;
	v26 =	vshll.u32 v26, $0x7  }
0x1b1: {  	[tilespmem:s31+$0x30] =	vst v21;
	v18 =	vand.u32 $0x7800, v18;
	v21 =	vand.u32 $0x300, v26;
	v26 =	vor.u32 v10, v32  }
0x1b2: {  	[tilespmem:s31+$0xFFFFFF90] =	vst v20;
	v20 =	vshll.u32 v29, $0x8;
	v29 =	vshll.u32 v29, $0x7;
	v31 =	vadd.s32 v11, v18  }
0x1b3: {  	v60 =	vadd.s32 v13, v18;
	v61 =	vadd.s32 v15, v18;
	v20 =	vand.u32 $0x7800, v20  }
0x1b4: {  	v28 =	vld.idx.msk [tilespmem:v33+s24+$0x0], $0xffff;
	v29 =	vand.u32 $0x380, v29;
	v43 =	vadd.s32 v12, v18;
	v44 =	vadd.s32 v6, v18  }
0x1b5: {  	v45 =	vadd.s32 v3, v18;
	v31 =	vor.u32 v21, v31;
	v33 =	vor.u32 v21, v61  }
0x1b6: {  	v19 =	vld.idx.msk [tilespmem:v19+s24+$0x0], $0xffff;
	v40 =	vadd.s32 v11, v20;
	v41 =	vadd.s32 v15, v20;
	v42 =	vadd.s32 v14, v20  }
0x1b7: {  	v62 =	vor.u32 v21, v43;
	v32 =	vor.u32 v21, v60;
	v49 =	vadd.s32 v12, v20  }
0x1b8: {  	v25 =	vld.idx.msk [tilespmem:v25+s24+$0x0], $0xffff;
	v43 =	vor.u32 v21, v44;
	v51 =	vadd.s32 v3, v20;
	v31 =	vor.u32 v7, v31  }
0x1b9: {  	v45 =	vor.u32 v21, v45;
	v40 =	vor.u32 v29, v40;
	v42 =	vor.u32 v29, v42;
	[tilespmem:s0+$0x10] =	vst v28  }
0x1ba: {  	v32 =	vor.u32 v8, v32;
	v44 =	vor.u32 v29, v51;
	v40 =	vor.u32 v7, v40;
	v30 =	vld.idx.msk [tilespmem:v30+s24+$0x0], $0xffff  }
0x1bb: {  	v55 =	vor.u32 v10, v42;
	v28 =	vadd.s32 v14, v18;
	[tilespmem:s31+$0x40] =	vst v19;
	v19 =	vadd.s32 v13, v20  }
0x1bc: {  	v18 =	vadd.s32 v1, v18;
	v28 =	vor.u32 v21, v28;
	v23 =	vld.idx.msk [tilespmem:v23+s24+$0x0], $0xffff;
	v19 =	vor.u32 v29, v19  }
0x1bd: {  	[tilespmem:s31+$0xFFFFFFA0] =	vst v25;
	v25 =	vor.u32 v29, v41;
	v18 =	vor.u32 v21, v18;
	v31 =	vld.idx.msk [tilespmem:v31+s24+$0x0], $0xffff  }
0x1be: {  	v21 =	vor.u32 v4, v36;
	v41 =	vor.u32 v5, v62;
	v36 =	vor.u32 v4, v43;
	v26 =	vld.idx.msk [tilespmem:v26+s24+$0x0], $0xffff  }
0x1bf: {  	v19 =	vor.u32 v8, v19;
	v50 =	vld.idx.msk [tilespmem:v40+s24+$0x0], $0xffff;
	[tilespmem:s0+$0x20] =	vst v30;
	v30 =	vor.u32 v5, v34  }
0x1c0: {  	v25 =	vor.u32 v9, v25;
	v18 =	vor.u32 v0, v18;
	v28 =	vor.u32 v10, v28  }
0x1c1: {  	v40 =	vor.u32 v29, v49;
	[tilespmem:s31+$0x50] =	vst v23;
	v23 =	vadd.s32 v6, v20;
	v27 =	vld.idx.msk [tilespmem:v27+s24+$0x0], $0xffff  }
0x1c2: {  	v46 =	vor.u32 v29, v23;
	v23 =	vor.u32 v5, v35;
	v24 =	vld.idx.msk [tilespmem:v24+s24+$0x0], $0xffff;
	[tilespmem:s0+$0xFFFFFF80] =	vst v31  }
0x1c3: {  	s9 =	simm.s32 $0x4;
	s5 =	simm.s32 $0x11B00;
	v20 =	vadd.s32 v1, v20;
	[tilespmem:s31+$0xFFFFFFB0] =	vst v26;
	v31 =	vor.u32 v0, v17;
	v32 =	vld.idx.msk [tilespmem:v32+s24+$0x0], $0xffff  }
0x1c4: {  	v17 =	vor.u32 v29, v20;
	v20 =	vor.u32 v9, v33;
	[tilespmem:s5+$0x0] =	vst v50;
	v26 =	vld.idx.msk [tilespmem:v30+s24+$0x0], $0xffff;
	v30 =	vmov s9  }
0x1c5: {  	s17 =	simm.s32 $0x7;
	v29 =	vor.u32 v2, v37;
	v19 =	vld.idx.msk [tilespmem:v19+s24+$0x0], $0xffff;
	v54 =	vshll.u32 v30, $0x8;
	v30 =	vshll.u32 v30, $0x7  }
0x1c6: {  	[tilespmem:s0+$0x30] =	vst v27;
	v27 =	vmov s17;
	v35 =	vand.u32 $0x7800, v54;
	v63 =	vand.u32 $0x300, v30  }
0x1c7: {  	[tilespmem:s31+$0x60] =	vst v24;
	v23 =	vld.idx.msk [tilespmem:v23+s24+$0x0], $0xffff;
	v24 =	vshll.u32 v27, $0x8;
	v27 =	vshll.u32 v27, $0x7;
	v30 =	vadd.s32 v11, v35  }
0x1c8: {  	v58 =	vld.idx.msk [tilespmem:v31+s24+$0x0], $0xffff;
	[tilespmem:s0+$0xFFFFFF90] =	vst v32;
	v56 =	vadd.s32 v13, v35;
	v57 =	vadd.s32 v15, v35;
	v24 =	vand.u32 $0x7800, v24  }
0x1c9: {  	v47 =	vand.u32 $0x380, v27;
	v27 =	vadd.s32 v14, v35;
	v62 =	vadd.s32 v3, v35;
	v20 =	vld.idx.msk [tilespmem:v20+s24+$0x0], $0xffff  }
0x1ca: {  	v30 =	vor.u32 v63, v30;
	v59 =	vor.u32 v63, v57;
	v31 =	vadd.s32 v14, v24;
	[tilespmem:s5+$0x10] =	vst v19  }
0x1cb: {  	v19 =	vadd.s32 v11, v24;
	v27 =	vor.u32 v63, v27;
	[tilespmem:s31+$0xFFFFFFC0] =	vst v26;
	v26 =	vor.u32 v7, v30  }
0x1cc: {  	v61 =	vadd.s32 v3, v24;
	v32 =	vor.u32 v63, v62;
	v19 =	vor.u32 v47, v19  }
0x1cd: {  	v30 =	vadd.s32 v15, v24;
	v60 =	vld.idx.msk [tilespmem:v25+s24+$0x0], $0xffff;
	v50 =	vor.u32 v47, v31;
	v48 =	vor.u32 v7, v19  }
0x1ce: {  	v39 =	vor.u32 v9, v59;
	v21 =	vld.idx.msk [tilespmem:v21+s24+$0x0], $0xffff;
	[tilespmem:s0+$0x40] =	vst v23;
	v23 =	vadd.s32 v13, v24  }
0x1cf: {  	[tilespmem:s31+$0x70] =	vst v58;
	v33 =	vld.idx.msk [tilespmem:v52+s24+$0x0], $0xffff;
	v19 =	vor.u32 v47, v23;
	v23 =	vadd.s32 v12, v35  }
0x1d0: {  	[tilespmem:s0+$0xFFFFFFA0] =	vst v20;
	v49 =	vor.u32 v8, v19;
	v20 =	vor.u32 v47, v30;
	v30 =	vld.idx.msk [tilespmem:v26+s24+$0x0], $0xffff  }
0x1d1: {  	v19 =	vor.u32 v63, v23;
	v25 =	vor.u32 v9, v20;
	v20 =	vor.u32 v63, v56;
	v28 =	vld.idx.msk [tilespmem:v28+s24+$0x0], $0xffff  }
0x1d2: {  	v23 =	vadd.s32 v6, v24;
	[tilespmem:s5+$0x20] =	vst v60;
	v31 =	vor.u32 v8, v20;
	v48 =	vld.idx.msk [tilespmem:v48+s24+$0x0], $0xffff  }
0x1d3: {  	v23 =	vor.u32 v47, v23;
	[tilespmem:s31+$0xFFFFFFD0] =	vst v21;
	v21 =	vadd.s32 v12, v24;
	v51 =	vld.idx.msk [tilespmem:v55+s24+$0x0], $0xffff  }
0x1d4: {  	v20 =	vadd.s32 v6, v35;
	v24 =	vadd.s32 v1, v24;
	v26 =	vld.idx.msk [tilespmem:v53+s24+$0x0], $0xffff;
	[tilespmem:s0+$0x50] =	vst v33  }
0x1d5: {  	v21 =	vor.u32 v47, v21;
	v20 =	vor.u32 v63, v20;
	v53 =	vor.u32 v5, v40;
	v52 =	vld.idx.msk [tilespmem:v29+s24+$0x0], $0xffff  }
0x1d6: {  	v33 =	vor.u32 v10, v50;
	v29 =	vor.u32 v0, v22;
	[tilespmem:s5+$0xFFFFFF80] =	vst v30;
	v30 =	vor.u32 v47, v61  }
0x1d7: {  	s17 =	simm.s32 $0x11C00;
	[tilespmem:s0+$0xFFFFFFB0] =	vst v28;
	v28 =	vadd.s32 v1, v35;
	v35 =	vor.u32 v4, v46;
	v38 =	vld.idx.msk [tilespmem:v31+s24+$0x0], $0xffff  }
0x1d8: {  	s20 =	simm.s32 $0x6;
	v34 =	vld.idx.msk [tilespmem:v41+s24+$0x0], $0xffff;
	v31 =	vor.u32 v47, v24;
	v22 =	vor.u32 v63, v28;
	[tilespmem:s17+$0x0] =	vst v48  }
0x1d9: {  	v24 =	vor.u32 v2, v44;
	v63 =	vmov s20;
	[tilespmem:s5+$0x30] =	vst v51;
	v28 =	vor.u32 v2, v45;
	v40 =	vld.idx.msk [tilespmem:v49+s24+$0x0], $0xffff  }
0x1da: {  	s20 =	simm.s32 $0x8;
	v22 =	vor.u32 v0, v22;
	v41 =	vshll.u32 v63, $0x8;
	v42 =	vshll.u32 v63, $0x7;
	v37 =	vld.idx.msk [tilespmem:v53+s24+$0x0], $0xffff;
	[tilespmem:s0+$0x60] =	vst v52  }
.LBB2_7:
0x1db: {  	s9 =	sadd.s32 $0x1, s20;
	v41 =	vand.u32 $0x7800, v41;
	v42 =	vand.u32 $0x300, v42  }
0x1dc: {  	p0 =	slt.u32 s20, $0x6E;
	[tilespmem:s5+$0xFFFFFF90] =	vst v38;
	v38 =	vor.u32 v10, v27;
	v43 =	vmovc v32;
	v44 =	vmovc v30;
	v45 =	vmov v17;
	v17 =	vmov v31;
	s8 =	smov.u32 s20;
	s20 =	sadd.s32 $0x2, s20  }
0x1dd: {  	v27 =	vmov s9;
	v30 =	vadd.s32 v11, v41;
	v31 =	vadd.s32 v13, v41;
	v32 =	vld.idx.msk [tilespmem:v39+s24+$0x0], $0xffff;
	[tilespmem:s0+$0xFFFFFFC0] =	vst v34  }
0x1de: {  	v39 =	vadd.s32 v15, v41;
	v34 =	vshll.u32 v27, $0x8;
	v30 =	vor.u32 v42, v30;
	v46 =	vld.idx.msk [tilespmem:v29+s24+$0x0], $0xffff;
	[tilespmem:s31+$0xFFFFFFE0] =	vst v26  }
0x1df: {  	v39 =	vor.u32 v42, v39;
	v29 =	vand.u32 $0x7800, v34;
	v26 =	vor.u32 v7, v30;
	v30 =	vld.idx.msk [tilespmem:v36+s24+$0x0], $0xffff  }
0x1e0: {  	v27 =	vshll.u32 v27, $0x7;
	v34 =	vadd.s32 v15, v29;
	v36 =	vadd.s32 v14, v29;
	[tilespmem:s17+$0x10] =	vst v40;
	v40 =	vld.idx.msk [tilespmem:v16+s24+$0x0], $0xffff  }
0x1e1: {  	v47 =	vand.u32 $0x380, v27;
	v27 =	vadd.s32 v14, v41;
	v16 =	vadd.s32 v11, v29;
	v48 =	vld.idx.msk [tilespmem:v25+s24+$0x0], $0xffff;
	[tilespmem:s5+$0x40] =	vst v37  }
0x1e2: {  	v27 =	vor.u32 v42, v27;
	v16 =	vor.u32 v47, v16;
	v25 =	vadd.s32 v13, v29;
	v35 =	vld.idx.msk [tilespmem:v35+s24+$0x0], $0xffff  }
0x1e3: {  	v37 =	vor.u32 v7, v16;
	v51 =	vor.u32 v47, v25;
	v25 =	vadd.s32 v12, v41;
	[tilespmem:s5+$0xFFFFFFA0] =	vst v32  }
0x1e4: {  	v50 =	vor.u32 v47, v34;
	v49 =	vor.u32 v8, v51;
	v34 =	vor.u32 v42, v25;
	v32 =	vld.idx.msk [tilespmem:v26+s24+$0x0], $0xffff  }
0x1e5: {  	v25 =	vor.u32 v9, v50;
	v26 =	vor.u32 v42, v31;
	v16 =	vmov v18;
	v31 =	vld.idx.msk [tilespmem:v38+s24+$0x0], $0xffff;
	[tilespmem:s0+$0xFFFFFFD0] =	vst v30  }
0x1e6: {  	v50 =	vor.u32 v47, v36;
	v38 =	vadd.s32 v12, v29;
	v36 =	vor.u32 v8, v26;
	[tilespmem:s31+$0xFFFFFFF0] =	vst v40;
	s31 =	smov.u32 s0;
	s0 =	smov.u32 s5;
	s5 =	smov.u32 s17  }
0x1e7: {  	v30 =	vadd.s32 v6, v41;
	v40 =	vor.u32 v5, v19;
	v19 =	vmov v34;
	[tilespmem:s17+$0x20] =	vst v48;
	v26 =	vld.idx.msk [tilespmem:v28+s24+$0x0], $0xffff  }
0x1e8: {  	v18 =	vmov v22;
	v34 =	vor.u32 v47, v38;
	v28 =	vld.idx.msk [tilespmem:v37+s24+$0x0], $0xffff;
	v37 =	vor.u32 v42, v30;
	[tilespmem:s0+$0x50] =	vst v35  }
0x1e9: {  	v22 =	vadd.s32 v6, v29;
	v30 =	vadd.s32 v3, v29;
	v35 =	vadd.s32 v3, v41;
	v33 =	vld.idx.msk [tilespmem:v33+s24+$0x0], $0xffff  }
0x1ea: {  	v48 =	vor.u32 v47, v22;
	[tilespmem:s17+$0xFFFFFF80] =	vst v32;
	v32 =	vor.u32 v42, v35;
	v51 =	vld.idx.msk [tilespmem:v24+s24+$0x0], $0xffff  }
0x1eb: {  	v52 =	vor.u32 v5, v21;
	v21 =	vmov v34;
	v30 =	vor.u32 v47, v30;
	v38 =	vld.idx.msk [tilespmem:v36+s24+$0x0], $0xffff;
	[tilespmem:s0+$0xFFFFFFB0] =	vst v31  }
.Ltmp6:
0x1ec: {  	v22 =	vadd.s32 v1, v29;
	v29 =	vor.u32 v0, v45;
	v24 =	vadd.s32 v1, v41;
	v34 =	vld.idx.msk [tilespmem:v40+s24+$0x0], $0xffff;
	(pc) =	sbr.rel @p0 .LBB2_7-.Ltmp6, $4  }
0x1ed: {  	v39 =	vor.u32 v9, v39;
	s17 =	sadd.s32 $0x100, s17;
	v31 =	vor.u32 v47, v22;
	v22 =	vor.u32 v42, v24;
	[tilespmem:s31+$0x70] =	vst v46  }
0x1ee: {  	v24 =	vor.u32 v2, v44;
	v36 =	vor.u32 v4, v20;
	v22 =	vor.u32 v0, v22;
	[tilespmem:s17+$0x0] =	vst v28  }
0x1ef: {  	v35 =	vor.u32 v4, v23;
	v42 =	vmov s8;
	v20 =	vmovc v37;
	v28 =	vor.u32 v2, v43;
	v40 =	vld.idx.msk [tilespmem:v49+s24+$0x0], $0xffff;
	[tilespmem:s5+$0x30] =	vst v33  }
0x1f0: {  	v23 =	vmovc v48;
	v41 =	vshll.u32 v42, $0x8;
	v42 =	vshll.u32 v42, $0x7;
	v33 =	vor.u32 v10, v50;
	v37 =	vld.idx.msk [tilespmem:v52+s24+$0x0], $0xffff;
	[tilespmem:s0+$0x60] =	vst v51  }
0x1f1: {  	v41 =	vand.u32 $0x7800, v41  }
0x1f2: {  	v42 =	vand.u32 $0x300, v42;
	v11 =	vadd.s32 v11, v41  }
0x1f3: {  	v11 =	vor.u32 v42, v11  }
0x1f4: {  	v7 =	vor.u32 v7, v11;
	_ =	sdelay $0x3  }
0x1f5: {  	v57 =	vadd.s32 v13, v41  }
0x1f6: {  	v11 =	vor.u32 v42, v57;
	v7 =	vld.idx.msk [tilespmem:v7+s24+$0x0], $0xffff  }
0x1f7: {  	v8 =	vor.u32 v8, v11;
	_ =	sdelay $0x3  }
0x1f8: {  	v58 =	vadd.s32 v15, v41;
	[tilespmem:s17+$0xFFFFFF80] =	vst v7  }
0x1f9: {  	v59 =	vor.u32 v42, v58;
	v8 =	vld.idx.msk [tilespmem:v8+s24+$0x0], $0xffff  }
0x1fa: {  	v7 =	vor.u32 v9, v59;
	_ =	sdelay $0x1  }
0x1fb: {  	[tilespmem:s5+$0xFFFFFF90] =	vst v38  }
0x1fc: {  	v60 =	vld.idx.msk [tilespmem:v39+s24+$0x0], $0xffff;
	[tilespmem:s17+$0x10] =	vst v40  }
0x1fd: {  	v61 =	vor.u32 v10, v27;
	v62 =	vadd.s32 v14, v41;
	v63 =	vld.idx.msk [tilespmem:v25+s24+$0x0], $0xffff;
	[tilespmem:s17+$0xFFFFFF90] =	vst v8  }
0x1fe: {  	v25 =	vor.u32 v42, v62;
	v7 =	vld.idx.msk [tilespmem:v7+s24+$0x0], $0xffff  }
0x1ff: {  	v8 =	vor.u32 v10, v25;
	_ =	sdelay $0x1  }
0x200: {  	[tilespmem:s5+$0xFFFFFFA0] =	vst v60  }
0x201: {  	[tilespmem:s17+$0x20] =	vst v63;
	v9 =	vld.idx.msk [tilespmem:v61+s24+$0x0], $0xffff  }
0x202: {  	v38 =	vor.u32 v5, v19;
	v27 =	vadd.s32 v12, v41;
	v39 =	vld.idx.msk [tilespmem:v33+s24+$0x0], $0xffff;
	[tilespmem:s17+$0xFFFFFFA0] =	vst v7  }
0x203: {  	v43 =	vor.u32 v5, v21;
	v40 =	vor.u32 v42, v27;
	v8 =	vld.idx.msk [tilespmem:v8+s24+$0x0], $0xffff  }
0x204: {  	v44 =	vor.u32 v5, v40;
	_ =	sdelay $0x1  }
0x205: {  	[tilespmem:s5+$0xFFFFFFB0] =	vst v9  }
0x206: {  	[tilespmem:s17+$0x30] =	vst v39;
	v45 =	vld.idx.msk [tilespmem:v38+s24+$0x0], $0xffff  }
0x207: {  	v46 =	vor.u32 v4, v20;
	v6 =	vadd.s32 v6, v41;
	v10 =	vld.idx.msk [tilespmem:v43+s24+$0x0], $0xffff;
	[tilespmem:s17+$0xFFFFFFB0] =	vst v8  }
0x208: {  	v47 =	vor.u32 v4, v23;
	v6 =	vor.u32 v42, v6;
	v5 =	vld.idx.msk [tilespmem:v44+s24+$0x0], $0xffff  }
0x209: {  	[tilespmem:s0+$0xFFFFFFC0] =	vst v34;
	v48 =	vor.u32 v4, v6  }
0x20a: {  	v49 =	vld.idx.msk [tilespmem:v36+s24+$0x0], $0xffff;
	[tilespmem:s5+$0x40] =	vst v37  }
0x20b: {  	v50 =	vld.idx.msk [tilespmem:v35+s24+$0x0], $0xffff;
	[tilespmem:s5+$0xFFFFFFC0] =	vst v45  }
0x20c: {  	[tilespmem:s17+$0x40] =	vst v10;
	v7 =	vld.idx.msk [tilespmem:v46+s24+$0x0], $0xffff  }
0x20d: {  	v51 =	vor.u32 v2, v32;
	v3 =	vadd.s32 v3, v41;
	v8 =	vld.idx.msk [tilespmem:v47+s24+$0x0], $0xffff;
	[tilespmem:s17+$0xFFFFFFC0] =	vst v5  }
0x20e: {  	[tilespmem:s31+$0xFFFFFFE0] =	vst v26;
	v52 =	vor.u32 v2, v30;
	v3 =	vor.u32 v42, v3;
	v4 =	vld.idx.msk [tilespmem:v48+s24+$0x0], $0xffff  }
0x20f: {  	v53 =	vld.idx.msk [tilespmem:v16+s24+$0x0], $0xffff;
	v54 =	vor.u32 v2, v3;
	[tilespmem:s0+$0xFFFFFFD0] =	vst v49  }
0x210: {  	v55 =	vld.idx.msk [tilespmem:v28+s24+$0x0], $0xffff;
	[tilespmem:s5+$0x50] =	vst v50  }
0x211: {  	v56 =	vld.idx.msk [tilespmem:v24+s24+$0x0], $0xffff;
	[tilespmem:s5+$0xFFFFFFD0] =	vst v7  }
0x212: {  	v57 =	vor.u32 v0, v17;
	v9 =	vld.idx.msk [tilespmem:v51+s24+$0x0], $0xffff;
	[tilespmem:s17+$0x50] =	vst v8  }
0x213: {  	v1 =	vadd.s32 v1, v41;
	v5 =	vld.idx.msk [tilespmem:v52+s24+$0x0], $0xffff;
	[tilespmem:s17+$0xFFFFFFD0] =	vst v4  }
0x214: {  	v1 =	vor.u32 v42, v1;
	v58 =	vor.u32 v0, v31;
	[tilespmem:s31+$0xFFFFFFF0] =	vst v53;
	v2 =	vld.idx.msk [tilespmem:v54+s24+$0x0], $0xffff  }
0x215: {  	v60 =	vor.u32 v0, v1;
	[tilespmem:s0+$0xFFFFFFE0] =	vst v55;
	v59 =	vld.idx.msk [tilespmem:v29+s24+$0x0], $0xffff  }
0x216: {  	v61 =	vld.idx.msk [tilespmem:v18+s24+$0x0], $0xffff;
	[tilespmem:s5+$0x60] =	vst v56  }
0x217: {  	v62 =	vld.idx.msk [tilespmem:v57+s24+$0x0], $0xffff;
	[tilespmem:s5+$0xFFFFFFE0] =	vst v9  }
0x218: {  	v63 =	vld.idx.msk [tilespmem:v22+s24+$0x0], $0xffff;
	[tilespmem:s17+$0x60] =	vst v5  }
0x219: {  	v4 =	vld.idx.msk [tilespmem:v58+s24+$0x0], $0xffff;
	[tilespmem:s17+$0xFFFFFFE0] =	vst v2  }
0x21a: {  	[tilespmem:s0+$0x70] =	vst v59;
	v0 =	vld.idx.msk [tilespmem:v60+s24+$0x0], $0xffff  }
0x21b: {  	[tilespmem:s0+$0xFFFFFFF0] =	vst v61  }
.Ltmp7:
0x21c: {  	[tilespmem:s5+$0x70] =	vst v62;
	(pc) =	sbr.rel @p1 .LBB2_10-.Ltmp7, $4  }
0x21d: {  	[tilespmem:s5+$0xFFFFFFF0] =	vst v63  }
0x21e: {  	[tilespmem:s17+$0x70] =	vst v4  }
0x21f: {  	[tilespmem:s17+$0xFFFFFFF0] =	vst v0  }
0x220: {  	[spmem:s14] =	stream.linear.scatter [tilespmem:s23], [sflag:$0x4], $0x3800, $0x38;
	[tilespmem:$0x1C080] =	vst v63  }
0x221: {  	s0 =	sadd.s32 s29, s15  }
0x222: {  	s0 =	sshll.u32 s0, $0x5  }
0x223: {  	s5 =	sadd.s32 s1, s0  }
0x224: {  	[tilespmem:s24], [sflag:$0x2] =	stream.linear.gather [hbm4b:s5+s4], $0x400, $0x38;
	[tilespmem:$0x1C080] =	vst v63  }
0x225: {  	s9 =	simm.s32 $0x7880;
	s8 =	sadd.s32 $0x100, s5  }
0x226: {  	[tilespmem:s9], [sflag:$0x2] =	stream.linear.gather [hbm4b:s8+s4], $0x400, $0x38;
	[tilespmem:$0x1C080] =	vst v63  }
0x227: {  	s17 =	simm.s32 $0x8080;
	s9 =	sadd.s32 $0x200, s5  }
0x228: {  	[tilespmem:s17], [sflag:$0x2] =	stream.linear.gather [hbm4b:s9+s4], $0x400, $0x38;
	[tilespmem:$0x1C080] =	vst v63  }
0x229: {  	s31 =	simm.s32 $0x8880;
	s20 =	sadd.s32 $0x300, s5  }
0x22a: {  	[tilespmem:s31], [sflag:$0x2] =	stream.linear.gather [hbm4b:s20+s4], $0x400, $0x38;
	[tilespmem:$0x1C080] =	vst v63  }
0x22b: {  	s9 =	sadd.s32 $0x400, s5;
	s17 =	simm.s32 $0x9080  }
0x22c: {  	[tilespmem:s17], [sflag:$0x2] =	stream.linear.gather [hbm4b:s9+s4], $0x400, $0x38;
	[tilespmem:$0x1C080] =	vst v63  }
0x22d: {  	s20 =	sadd.s32 $0x500, s5;
	s31 =	simm.s32 $0x9880  }
0x22e: {  	[tilespmem:s31], [sflag:$0x2] =	stream.linear.gather [hbm4b:s20+s4], $0x400, $0x38;
	[tilespmem:$0x1C080] =	vst v63  }
0x22f: {  	s9 =	sadd.s32 $0x600, s5;
	s17 =	simm.s32 $0xA080  }
0x230: {  	[tilespmem:s17], [sflag:$0x2] =	stream.linear.gather [hbm4b:s9+s4], $0x400, $0x38;
	[tilespmem:$0x1C080] =	vst v63  }
0x231: {  	s20 =	sadd.s32 $0x700, s5;
	s31 =	simm.s32 $0xA880  }
0x232: {  	[tilespmem:s31], [sflag:$0x2] =	stream.linear.gather [hbm4b:s20+s4], $0x400, $0x38;
	[tilespmem:$0x1C080] =	vst v63  }
0x233: {  	s9 =	sadd.s32 $0x800, s5;
	s17 =	simm.s32 $0xB080  }
0x234: {  	[tilespmem:s17], [sflag:$0x2] =	stream.linear.gather [hbm4b:s9+s4], $0x400, $0x38;
	[tilespmem:$0x1C080] =	vst v63  }
0x235: {  	s20 =	sadd.s32 $0x900, s5;
	s31 =	simm.s32 $0xB880  }
0x236: {  	[tilespmem:s31], [sflag:$0x2] =	stream.linear.gather [hbm4b:s20+s4], $0x400, $0x38;
	[tilespmem:$0x1C080] =	vst v63  }
0x237: {  	s9 =	sadd.s32 $0xA00, s5;
	s17 =	simm.s32 $0xC080  }
0x238: {  	[tilespmem:s17], [sflag:$0x2] =	stream.linear.gather [hbm4b:s9+s4], $0x400, $0x38;
	[tilespmem:$0x1C080] =	vst v63  }
0x239: {  	s20 =	sadd.s32 $0xB00, s5;
	s31 =	simm.s32 $0xC880  }
0x23a: {  	[tilespmem:s31], [sflag:$0x2] =	stream.linear.gather [hbm4b:s20+s4], $0x400, $0x38;
	[tilespmem:$0x1C080] =	vst v63  }
0x23b: {  	s17 =	sadd.s32 $0xC00, s5;
	s20 =	simm.s32 $0xD080  }
0x23c: {  	[tilespmem:s20], [sflag:$0x2] =	stream.linear.gather [hbm4b:s17+s4], $0x400, $0x38;
	[tilespmem:$0x1C080] =	vst v63  }
0x23d: {  	s5 =	sadd.s32 $0xD00, s5;
	s31 =	simm.s32 $0xD880  }
0x23e: {  	[tilespmem:s31], [sflag:$0x2] =	stream.linear.gather [hbm4b:s5+s4], $0x400, $0x38;
	[tilespmem:$0x1C080] =	vst v63  }
0x23f: {  	s0 =	sadd.s32 s0, s7;
	s8 =	simm.s32 $0x7480  }
0x240: {  	[tilespmem:s8], [sflag:$0x2] =	stream.linear.gather [hbm4b:s0+s4], $0x400, $0x38;
	[tilespmem:$0x1C080] =	vst v63  }
0x241: {  	s9 =	sadd.s32 $0x100, s0;
	s17 =	simm.s32 $0x7C80  }
0x242: {  	[tilespmem:s17], [sflag:$0x2] =	stream.linear.gather [hbm4b:s9+s4], $0x400, $0x38;
	[tilespmem:$0x1C080] =	vst v63  }
0x243: {  	s20 =	sadd.s32 $0x200, s0;
	s31 =	simm.s32 $0x8480  }
0x244: {  	[tilespmem:s31], [sflag:$0x2] =	stream.linear.gather [hbm4b:s20+s4], $0x400, $0x38;
	[tilespmem:$0x1C080] =	vst v63  }
0x245: {  	s9 =	sadd.s32 $0x300, s0;
	s17 =	simm.s32 $0x8C80  }
0x246: {  	[tilespmem:s17], [sflag:$0x2] =	stream.linear.gather [hbm4b:s9+s4], $0x400, $0x38;
	[tilespmem:$0x1C080] =	vst v63  }
0x247: {  	s20 =	sadd.s32 $0x400, s0;
	s31 =	simm.s32 $0x9480  }
0x248: {  	[tilespmem:s31], [sflag:$0x2] =	stream.linear.gather [hbm4b:s20+s4], $0x400, $0x38;
	[tilespmem:$0x1C080] =	vst v63  }
0x249: {  	s9 =	sadd.s32 $0x500, s0;
	s17 =	simm.s32 $0x9C80  }
0x24a: {  	[tilespmem:s17], [sflag:$0x2] =	stream.linear.gather [hbm4b:s9+s4], $0x400, $0x38;
	[tilespmem:$0x1C080] =	vst v63  }
0x24b: {  	s20 =	sadd.s32 $0x600, s0;
	s31 =	simm.s32 $0xA480  }
0x24c: {  	[tilespmem:s31], [sflag:$0x2] =	stream.linear.gather [hbm4b:s20+s4], $0x400, $0x38;
	[tilespmem:$0x1C080] =	vst v63  }
0x24d: {  	s9 =	sadd.s32 $0x700, s0;
	s17 =	simm.s32 $0xAC80  }
0x24e: {  	[tilespmem:s17], [sflag:$0x2] =	stream.linear.gather [hbm4b:s9+s4], $0x400, $0x38;
	[tilespmem:$0x1C080] =	vst v63  }
0x24f: {  	s20 =	sadd.s32 $0x800, s0;
	s31 =	simm.s32 $0xB480  }
0x250: {  	[tilespmem:s31], [sflag:$0x2] =	stream.linear.gather [hbm4b:s20+s4], $0x400, $0x38;
	[tilespmem:$0x1C080] =	vst v63  }
0x251: {  	s9 =	sadd.s32 $0x900, s0;
	s17 =	simm.s32 $0xBC80  }
0x252: {  	[tilespmem:s17], [sflag:$0x2] =	stream.linear.gather [hbm4b:s9+s4], $0x400, $0x38;
	[tilespmem:$0x1C080] =	vst v63  }
0x253: {  	s20 =	sadd.s32 $0xA00, s0;
	s31 =	simm.s32 $0xC480  }
0x254: {  	[tilespmem:s31], [sflag:$0x2] =	stream.linear.gather [hbm4b:s20+s4], $0x400, $0x38;
	[tilespmem:$0x1C080] =	vst v63  }
0x255: {  	s8 =	sadd.s32 $0xB00, s0;
	s9 =	simm.s32 $0xCC80  }
0x256: {  	[tilespmem:s9], [sflag:$0x2] =	stream.linear.gather [hbm4b:s8+s4], $0x400, $0x38;
	[tilespmem:$0x1C080] =	vst v63  }
.Ltmp8:
0x257: {  	_ = 	snop;
	(pc) =	sbr.rel .LBB2_10-.Ltmp8, $4  }
0x258: {  	s17 =	sadd.s32 $0xC00, s0;
	s20 =	simm.s32 $0xD480  }
0x259: {  	[tilespmem:s20], [sflag:$0x2] =	stream.linear.gather [hbm4b:s17+s4], $0x400, $0x38;
	[tilespmem:$0x1C080] =	vst v63  }
0x25a: {  	s0 =	sadd.s32 $0xD00, s0;
	s31 =	simm.s32 $0xDC80  }
0x25b: {  	[tilespmem:s31], [sflag:$0x2] =	stream.linear.gather [hbm4b:s0+s4], $0x400, $0x38;
	[tilespmem:$0x1C080] =	vst v63  }
.LBB2_12:
0x25c: {  	_ =	sfence.sel $0x180000  }
0x25d: {  	[bflag:$0x0] =	sbarrier.arrive $0xFFFF  }
0x25e: {  	_ =	strace $0x90000047  }
0x25f: {  	[bflag:$0x2] =	sbarrier.arrive $0xFFFF  }
0x260: {  	p0 =	sne.s32 s2, $0x0;
	s0 =	rddreg [dreg:$0x4]  }
0x261: {  	s0 =	sadd.s32 @!p0 $0x100000, s0  }
0x262: {  	[sflag:s0] =	ssyncadd.tile.s32 @!p0 $0x1;
	_ =	shalt  }
.Lfunc_end2:
_tile_overlayer_lowered:
.L_overlay_start_2:
0x263: {  	(tag) =	ssettag $0x2  }
0x264: {  	s0 =	rddreg [dreg:$0x0];
	s2 =	stileid.u32  }
0x265: {  	s1 =	rddreg [dreg:$0x1];
	p0 =	sne.s32 s2, $0x0  }
0x266: {  	s3 =	rddreg [dreg:$0x2];
	[bflag:$0x3] =	sbarrier.arrive $0xFFFF;
	s2 =	simm.s32 @!p0 $0x1C07  }
0x267: {  	[timem:s3], [sflag:s2] =	dma.local @!p0 [hbm:s0], s1  }
0x268: {  	s0 =	simm.s32 @!p0 $0x7  }
0x269: {  	_ =	swait.ge @!p0 [sflag:s0], s1  }
0x26a: {  	s1 =	ssub.s32 @!p0 $0x0, s1;
	[sflag:s0] =	ssyncset.done @!p0 $0x0  }
0x26b: {  	[sflag:s0] =	ssyncadd.s32 @!p0 s1  }
0x26c: {  	[bflag:$0x3] =	sbarrier.arrive $0xFFFF  }
0x26d: {  	_ =	shalt  }

</sc_bundles>
